<compile_context>
chip_gen: v7x
topology: tpu7x:2x2x1
jax: 0.10.2.dev20260603
libtpu: 0.0.44.dev20260713+nightly
codegen_flags: <defaults>
</compile_context>

<pallas_src>
import functools

import jax
import jax.numpy as jnp
from jax import lax
from jax.experimental import pallas as pl
from jax.experimental.pallas import tpu as pltpu
from jax.experimental.pallas import tpu_sc as plsc

N = 10000
NP = 10240
D = 128
NG = 64
DOUT = 16
ALPHA = 1.0
MAX_ITER = 8
NEUMANN_K = 10
CNEU = ALPHA / (1.0 + ALPHA)

NC = 2
NS = 16
NW = NC * NS
LN = 16
EC = 128
ROWS_PER_SUB = NP // NS

BLK = 1024
GRID = NP // BLK


def _mesh():
    return plsc.VectorSubcoreMesh(core_axis_name="c", subcore_axis_name="s",
                                  num_cores=NC, num_subcores=NS)


def _make_spmm(nch):

    @functools.partial(
        pl.kernel,
        out_type=jax.ShapeDtypeStruct((NC, NP, D), jnp.float32),
        mesh=_mesh(),
        scratch_types=[
            pltpu.VMEM((nch, EC), jnp.int32),
            pltpu.VMEM((nch, EC), jnp.int32),
            pltpu.VMEM((nch, EC), jnp.float32),
            pltpu.VMEM((2, EC, D), jnp.float32),
            pltpu.VMEM_SHARED((NP, D), jnp.float32),
            pltpu.SemaphoreType.DMA,
            pltpu.SemaphoreType.DMA,
        ],
    )
    def spmm(term_hbm, row_hbm, col_hbm, w_hbm, out_hbm,
             rowv, colv, wv, gbuf, acc, sem_g, sem_s):
        cid = lax.axis_index("c")
        sid = lax.axis_index("s")
        wid = cid * NS + sid

        pltpu.sync_copy(row_hbm.at[wid], rowv)
        pltpu.sync_copy(col_hbm.at[wid], colv)
        pltpu.sync_copy(w_hbm.at[wid], wv)

        zero16 = jnp.zeros((LN,), jnp.float32)

        @pl.loop(0, EC)
        def _zrow(r):
            for g in range(D // LN):
                gbuf[0, r, pl.ds(g * LN, LN)] = zero16

        base = sid * ROWS_PER_SUB
        for off in range(0, ROWS_PER_SUB, EC):
            pltpu.sync_copy(gbuf.at[0], acc.at[pl.ds(base + off, EC)])
        plsc.subcore_barrier()

        bcast_dn = lax.GatherDimensionNumbers(
            offset_dims=(), collapsed_slice_dims=(0,), start_index_map=(0,))

        pltpu.async_copy(term_hbm.at[rowv.at[0]], gbuf.at[0], sem_g)

        @pl.loop(0, nch)
        def _chunk(j):
            b = lax.rem(j, 2)
            nb = 1 - b

            @pl.when(j > 0)
            def _():
                pltpu.make_async_copy(gbuf.at[nb], acc.at[colv.at[j - 1]],
                                      sem_s).wait()

            @pl.when(j + 1 < nch)
            def _():
                pltpu.async_copy(term_hbm.at[rowv.at[j + 1]], gbuf.at[nb],
                                 sem_g)

            pltpu.make_async_copy(term_hbm.at[rowv.at[j]], gbuf.at[b],
                                  sem_g).wait()

            @pl.loop(0, 0)
            def _egroup(eb):
                w16 = wv[j, pl.ds(eb * LN, LN)]
                for l in range(LN):
                    wb = lax.gather(
                        w16, jnp.full((LN, 1), l, jnp.int32), bcast_dn,
                        slice_sizes=(1,),
                        mode=lax.GatherScatterMode.PROMISE_IN_BOUNDS)
                    e = eb * LN + l
                    for g in range(D // LN):
                        sl = pl.ds(g * LN, LN)
                        gbuf[b, e, sl] = gbuf[b, e, sl] * wb

            pltpu.async_copy(gbuf.at[b], acc.at[colv.at[j]], sem_s, add=True)

        pltpu.make_async_copy(gbuf.at[0], acc.at[colv.at[nch - 1]],
                              sem_s).wait()
        plsc.subcore_barrier()
        pltpu.sync_copy(acc.at[pl.ds(base, ROWS_PER_SUB)],
                        out_hbm.at[cid, pl.ds(base, ROWS_PER_SUB)])

    return spmm


def _encoder_body(x_ref, w_ref, b_ref, o_ref):
    o_ref[...] = lax.dot_general(
        x_ref[...], w_ref[...], (((1,), (1,)), ((), ())),
        preferred_element_type=jnp.float32) + b_ref[...]


def _encoder(x, enc_W, enc_b):
    return pl.pallas_call(
        _encoder_body,
        grid=(GRID,),
        in_specs=[
            pl.BlockSpec((BLK, D), lambda i: (i, 0)),
            pl.BlockSpec((D, D), lambda i: (0, 0)),
            pl.BlockSpec((1, D), lambda i: (0, 0)),
        ],
        out_specs=pl.BlockSpec((BLK, D), lambda i: (i, 0)),
        out_shape=jax.ShapeDtypeStruct((NP, D), jnp.float32),
    )(x, enc_W, enc_b.reshape(1, D))


def _cayley_body(w_ref, b_ref):
    W = w_ref[...]
    ii = lax.broadcasted_iota(jnp.int32, (D, D), 0)
    jj = lax.broadcasted_iota(jnp.int32, (D, D), 1)
    eye = (ii == jj).astype(jnp.float32)
    Wt = lax.dot_general(W, eye, (((0,), (0,)), ((), ())),
                         preferred_element_type=jnp.float32)
    S = W - Wt
    A = eye + S
    M = eye - S
    f = jnp.sum(A * A)
    X0 = M * (1.0 / f)

    def newton(_, X):
        AX = lax.dot_general(A, X, (((1,), (0,)), ((), ())),
                             preferred_element_type=jnp.float32)
        XAX = lax.dot_general(X, AX, (((1,), (0,)), ((), ())),
                              preferred_element_type=jnp.float32)
        return 2.0 * X - XAX

    Xinv = lax.fori_loop(0, 16, newton, X0)
    b_ref[...] = lax.dot_general(Xinv, M, (((1,), (0,)), ((), ())),
                                 preferred_element_type=jnp.float32)


def _cayley(Wraw):
    return pl.pallas_call(
        _cayley_body,
        out_shape=jax.ShapeDtypeStruct((D, D), jnp.float32),
    )(Wraw)


def _combine_body(p_ref, out_ref, b_ref, term_o, out_o):
    s = p_ref[0] + p_ref[1]
    t = CNEU * lax.dot_general(s, b_ref[...], (((1,), (1,)), ((), ())),
                               preferred_element_type=jnp.float32)
    term_o[...] = t
    out_o[...] = out_ref[...] + t


def _combine(p, out, Bm):
    return pl.pallas_call(
        _combine_body,
        grid=(GRID,),
        in_specs=[
            pl.BlockSpec((NC, BLK, D), lambda i: (0, i, 0)),
            pl.BlockSpec((BLK, D), lambda i: (i, 0)),
            pl.BlockSpec((D, D), lambda i: (0, 0)),
        ],
        out_specs=[
            pl.BlockSpec((BLK, D), lambda i: (i, 0)),
            pl.BlockSpec((BLK, D), lambda i: (i, 0)),
        ],
        out_shape=[
            jax.ShapeDtypeStruct((NP, D), jnp.float32),
            jax.ShapeDtypeStruct((NP, D), jnp.float32),
        ],
    )(p, out, Bm)


def _prepost_body(out_ref, y_ref, x_ref, ynext_ref):
    u = out_ref[...] - y_ref[...] + x_ref[...]
    z = jnp.maximum(u, 0.0)
    ynext_ref[...] = 2.0 * z - u + x_ref[...]


def _prepost(out, Y, Xt):
    return pl.pallas_call(
        _prepost_body,
        grid=(GRID,),
        in_specs=[pl.BlockSpec((BLK, D), lambda i: (i, 0))] * 3,
        out_specs=pl.BlockSpec((BLK, D), lambda i: (i, 0)),
        out_shape=jax.ShapeDtypeStruct((NP, D), jnp.float32),
    )(out, Y, Xt)


def _final_body(out_ref, y_ref, x_ref, pt_ref, dec_ref, res_ref, acc_ref):
    i = pl.program_id(0)

    @pl.when(i == 0)
    def _():
        acc_ref[...] = jnp.zeros_like(acc_ref)

    u = out_ref[...] - y_ref[...] + x_ref[...]
    zf = jnp.maximum(u, 0.0)
    acc_ref[...] += lax.dot_general(pt_ref[...], zf, (((0,), (0,)), ((), ())),
                                    preferred_element_type=jnp.float32)

    @pl.when(i == pl.num_programs(0) - 1)
    def _():
        res_ref[...] = lax.dot_general(
            acc_ref[...], dec_ref[...], (((1,), (1,)), ((), ())),
            preferred_element_type=jnp.float32)


def _final(out, Y, Xt, PT, dec_W):
    return pl.pallas_call(
        _final_body,
        grid=(GRID,),
        in_specs=[
            pl.BlockSpec((BLK, D), lambda i: (i, 0)),
            pl.BlockSpec((BLK, D), lambda i: (i, 0)),
            pl.BlockSpec((BLK, D), lambda i: (i, 0)),
            pl.BlockSpec((BLK, NG), lambda i: (i, 0)),
            pl.BlockSpec((DOUT, D), lambda i: (0, 0)),
        ],
        out_specs=pl.BlockSpec((NG, DOUT), lambda i: (0, 0)),
        out_shape=jax.ShapeDtypeStruct((NG, DOUT), jnp.float32),
        scratch_shapes=[pltpu.VMEM((NG, D), jnp.float32)],
    )(out, Y, Xt, PT, dec_W)


def kernel(x, edge_index, edge_weight, num_nodes, batch, enc_W, enc_b,
           Wraw, dec_W):
    n = x.shape[0]
    e = edge_index.shape[1]
    row = jnp.mod(edge_index[0], num_nodes).astype(jnp.int32)
    col = jnp.mod(edge_index[1], num_nodes).astype(jnp.int32)
    w = edge_weight.sum(axis=-1)

    deg_out = jax.ops.segment_sum(w, row, num_segments=n)
    deg_in = jax.ops.segment_sum(w, col, num_segments=n)
    w_hat = w / (jnp.sqrt(jnp.maximum(deg_out[row], 1e-6)) *
                 jnp.sqrt(jnp.maximum(deg_in[col], 1e-6)))

    epw = -(-e // (NW * EC)) * EC
    nch = epw // EC
    e_pad = epw * NW
    row3 = jnp.zeros((e_pad,), jnp.int32).at[:e].set(row).reshape(NW, nch, EC)
    col3 = jnp.zeros((e_pad,), jnp.int32).at[:e].set(col).reshape(NW, nch, EC)
    w3 = jnp.zeros((e_pad,), jnp.float32).at[:e].set(w_hat).reshape(NW, nch, EC)

    batchp = jnp.full((NP,), -1, dtype=batch.dtype).at[:n].set(batch)
    PT = (batchp[:, None] == jnp.arange(NG, dtype=batch.dtype)[None, :]
          ).astype(jnp.float32)

    xp = jnp.zeros((NP, D), jnp.float32).at[:n].set(x)

    spmm = _make_spmm(nch)
    Xt = _encoder(xp, enc_W, enc_b)
    Bm = _cayley(Wraw)

    def neumann_step(_, carry):
        term, out = carry
        p = spmm(term, row3, col3, w3)
        return _combine(p, out, Bm)

    def outer_step(_, carry):
        Y, _, _ = carry
        term, out = lax.fori_loop(0, NEUMANN_K, neumann_step, (Y, Y))
        return _prepost(out, Y, Xt), out, Y

    _, out8, Y8 = lax.fori_loop(0, MAX_ITER, outer_step, (Xt, Xt, Xt))
    return _final(out8, Y8, Xt, PT, dec_W)

# --- scband reference (transcript-rebuilt; emitter-appended) ---
"""Pipeline reference for scband-model-72696616452468 (READ-ONLY COPY).

The authoritative reference and input builder live on the scoring server;
editing this copy changes nothing except your own understanding.
"""

import jax, jax.numpy as jnp
import numpy as np

N_NODES = 10000
N_EDGES = 160000
D_IN = 128
D_HID = 128
D_OUT = 16
D_EDGE = 4
N_GRAPHS = 64
ALPHA = 1.0        # kappa=1.0 in PeacemanRachford
MAX_ITER = 8       # max_iter init arg
NEUMANN_K = 10     # invMethod='neumann-10'


def setup_inputs(seed: int = 0) -> dict:
    key = jax.random.key(seed)
    ks = jax.random.split(key, 8)
    x = jax.random.normal(ks[0], (N_NODES, D_IN), dtype=jnp.float32)
    edge_index = jax.random.randint(ks[1], (2, N_EDGES), 0, N_NODES)
    edge_weight = jax.random.uniform(ks[2], (N_EDGES, D_EDGE), dtype=jnp.float32)
    batch = jnp.sort(jax.random.randint(ks[3], (N_NODES,), 0, N_GRAPHS))
    # learned parameters
    enc_W = jax.random.normal(ks[4], (D_HID, D_IN), dtype=jnp.float32) / np.sqrt(D_IN)
    enc_b = jnp.zeros((D_HID,), dtype=jnp.float32)
    Wraw = jax.random.normal(ks[5], (D_HID, D_HID), dtype=jnp.float32) / np.sqrt(D_HID)
    dec_W = jax.random.normal(ks[6], (D_OUT, D_HID), dtype=jnp.float32) / np.sqrt(D_HID)
    return {"x": x, "edge_index": edge_index, "edge_weight": edge_weight,
            "num_nodes": N_NODES, "batch": batch,
            "enc_W": enc_W, "enc_b": enc_b, "Wraw": Wraw, "dec_W": dec_W}


def _cayley(Wraw):
    # CayleyLinear: orthogonal weight via Cayley transform of skew-symmetric part
    S = Wraw - Wraw.T
    I = jnp.eye(Wraw.shape[0], dtype=Wraw.dtype)
    return jnp.linalg.solve(I + S, I - S)


def _normalize_adj(row, col, w, n):
    # symmetric normalization done by set_adj so the Neumann series converges
    deg_out = jax.ops.segment_sum(w, row, num_segments=n)
    deg_in = jax.ops.segment_sum(w, col, num_segments=n)
    denom = jnp.sqrt(jnp.maximum(deg_out[row], 1e-6)) * jnp.sqrt(jnp.maximum(deg_in[col], 1e-6))
    return w / denom


def _spmm_right(Z, row, col, w, n):
    # Z: [h, N]; returns Z @ A where A[row, col] = w (COO, duplicates coalesced by add)
    vals = (Z[:, row] * w[None, :]).T  # [E, h]
    return jax.ops.segment_sum(vals, col, num_segments=n).T  # [h, N]


def reference(x, edge_index, edge_weight, num_nodes, batch, enc_W, enc_b, Wraw, dec_W):
    n = x.shape[0]
    row = jnp.mod(edge_index[0], num_nodes)
    col = jnp.mod(edge_index[1], num_nodes)
    # forward: edge_weight = edge_weight.sum(dim=-1); rebuild sparse adj
    w = edge_weight.sum(axis=-1)
    w_hat = _normalize_adj(row, col, w, n)
    B = _cayley(Wraw)

    def L(Z):  # monotone linear operator: B Z A_hat
        return B @ _spmm_right(Z, row, col, w_hat, n)

    def V(Y):  # (I + alpha(I - L))^{-1} Y via 10-term Neumann series
        c = ALPHA / (1.0 + ALPHA)
        out = Y
        term = Y
        for _ in range(NEUMANN_K):
            term = c * L(term)
            out = out + term
        return out / (1.0 + ALPHA)

    # encoder (dropout inactive in eval mode)
    h = x @ enc_W.T + enc_b  # [N, h]
    X = h.T                  # [h, N] (forward passes x.T)
    z = jnp.zeros_like(X)
    u = jnp.zeros_like(X)
    # Peaceman-Rachford fixed-point iteration for z = relu(L(z) + X)
    for _ in range(MAX_ITER):
        u_half = 2.0 * z - u
        z_half = V(u_half + ALPHA * X)
        u = 2.0 * z_half - u_half
        z = jax.nn.relu(u)
    out = jax.nn.relu(z.T)  # [N, h]
    pooled = jax.ops.segment_sum(out, batch, num_segments=N_GRAPHS)  # global_add_pool
    return pooled @ dec_W.T  # dec (no bias)

if __name__ == "__main__":
    import jax
    _d = setup_inputs()
    print(jax.jit(kernel)(*tuple(_d.values())))

</pallas_src>

<mosaic_0001>
#map = affine_map<(d0, d1) -> (0, 0)>
#map1 = affine_map<(d0, d1) -> (0, 0, 0)>
module attributes {stable_mosaic.version = 14 : i64} {
  func.func @spmm(%arg0: i32, %arg1: i32, %arg2: memref<10240x128xf32, #tpu.memory_space<hbm>>, %arg3: memref<32x40x128xi32, #tpu.memory_space<hbm>>, %arg4: memref<32x40x128xi32, #tpu.memory_space<hbm>>, %arg5: memref<32x40x128xf32, #tpu.memory_space<hbm>>, %arg6: memref<2x10240x128xf32, #tpu.memory_space<hbm>>, %arg7: memref<40x128xi32, #tpu.memory_space<vmem>>, %arg8: memref<40x128xi32, #tpu.memory_space<vmem>>, %arg9: memref<40x128xf32, #tpu.memory_space<vmem>>, %arg10: memref<2x128x128xf32, #tpu.memory_space<vmem>>, %arg11: memref<10240x128xf32, #tpu.memory_space<vmem_shared>>, %arg12: memref<!tpu.dma_semaphore, #tpu.memory_space<semaphore_mem>>, %arg13: memref<!tpu.dma_semaphore, #tpu.memory_space<semaphore_mem>>) attributes {dimension_semantics = [#tpu.dimension_semantics<core_parallel>, #tpu.dimension_semantics<subcore_parallel>], iteration_bounds = array<i64: 2, 16>, scalar_prefetch = 0 : i64, scratch_operands = 7 : i64, tpu.core_type = #tpu.core_type<sc_vector_subcore>, window_params = [{transform_indices = #map}, {transform_indices = #map1}, {transform_indices = #map1}, {transform_indices = #map1}, {transform_indices = #map1}]} {
    %mul3A = arith.constant 16 : i32
    %mul3A_0 = arith.muli %arg0, %mul3A : i32
    %add3A = arith.addi %mul3A_0, %arg1 : i32
    "tpu.region"() ({
      %run_scoped3A_50 = tpu.sem_alloc : memref<!tpu.dma_semaphore, #tpu.memory_space<semaphore_mem>>
      %dma_start3A_51 = arith.constant 0 : i32
      %dma_start3A_52 = arith.constant 0 : i32
      %dma_start3A_53 = tpu.memref_slice %arg3[%add3A, %dma_start3A_51, %dma_start3A_52] : memref<32x40x128xi32, #tpu.memory_space<hbm>> -> memref<1x40x128xi32, #tpu.memory_space<hbm>>
      %dma_start3A_54 = tpu.memref_squeeze %dma_start3A_53 : memref<1x40x128xi32, #tpu.memory_space<hbm>> -> memref<40x128xi32, #tpu.memory_space<hbm>>
      %dma_start3A_55 = arith.constant 0 : i32
      %dma_start3A_56 = arith.constant 0 : i32
      %dma_start3A_57 = tpu.memref_slice %arg3[%add3A, %dma_start3A_55, %dma_start3A_56] : memref<32x40x128xi32, #tpu.memory_space<hbm>> -> memref<1x40x128xi32, #tpu.memory_space<hbm>>
      %dma_start3A_58 = tpu.memref_squeeze %dma_start3A_57 : memref<1x40x128xi32, #tpu.memory_space<hbm>> -> memref<40x128xi32, #tpu.memory_space<hbm>>
      tpu.enqueue_dma source(%dma_start3A_58 : memref<40x128xi32, #tpu.memory_space<hbm>>) target(%arg7 : memref<40x128xi32, #tpu.memory_space<vmem>>) target_semaphore(%run_scoped3A_50 : memref<!tpu.dma_semaphore, #tpu.memory_space<semaphore_mem>>)
      %dma_wait3A_59 = arith.constant 0 : i32
      %dma_wait3A_60 = arith.constant 0 : i32
      %dma_wait3A_61 = tpu.memref_slice %arg3[%add3A, %dma_wait3A_59, %dma_wait3A_60] : memref<32x40x128xi32, #tpu.memory_space<hbm>> -> memref<1x40x128xi32, #tpu.memory_space<hbm>>
      %dma_wait3A_62 = tpu.memref_squeeze %dma_wait3A_61 : memref<1x40x128xi32, #tpu.memory_space<hbm>> -> memref<40x128xi32, #tpu.memory_space<hbm>>
      %dma_wait3A_63 = arith.constant 0 : i32
      %dma_wait3A_64 = arith.constant 0 : i32
      %dma_wait3A_65 = tpu.memref_slice %arg3[%add3A, %dma_wait3A_63, %dma_wait3A_64] : memref<32x40x128xi32, #tpu.memory_space<hbm>> -> memref<1x40x128xi32, #tpu.memory_space<hbm>>
      %dma_wait3A_66 = tpu.memref_squeeze %dma_wait3A_65 : memref<1x40x128xi32, #tpu.memory_space<hbm>> -> memref<40x128xi32, #tpu.memory_space<hbm>>
      tpu.wait_dma2 semaphore(%run_scoped3A_50 : memref<!tpu.dma_semaphore, #tpu.memory_space<semaphore_mem>>) src(%dma_wait3A_66 : memref<40x128xi32, #tpu.memory_space<hbm>>) dst(%arg7 : memref<40x128xi32, #tpu.memory_space<vmem>>)
      tpu.yield
    }) : () -> ()
    "tpu.region"() ({
      %run_scoped3A_50 = tpu.sem_alloc : memref<!tpu.dma_semaphore, #tpu.memory_space<semaphore_mem>>
      %dma_start3A_51 = arith.constant 0 : i32
      %dma_start3A_52 = arith.constant 0 : i32
      %dma_start3A_53 = tpu.memref_slice %arg4[%add3A, %dma_start3A_51, %dma_start3A_52] : memref<32x40x128xi32, #tpu.memory_space<hbm>> -> memref<1x40x128xi32, #tpu.memory_space<hbm>>
      %dma_start3A_54 = tpu.memref_squeeze %dma_start3A_53 : memref<1x40x128xi32, #tpu.memory_space<hbm>> -> memref<40x128xi32, #tpu.memory_space<hbm>>
      %dma_start3A_55 = arith.constant 0 : i32
      %dma_start3A_56 = arith.constant 0 : i32
      %dma_start3A_57 = tpu.memref_slice %arg4[%add3A, %dma_start3A_55, %dma_start3A_56] : memref<32x40x128xi32, #tpu.memory_space<hbm>> -> memref<1x40x128xi32, #tpu.memory_space<hbm>>
      %dma_start3A_58 = tpu.memref_squeeze %dma_start3A_57 : memref<1x40x128xi32, #tpu.memory_space<hbm>> -> memref<40x128xi32, #tpu.memory_space<hbm>>
      tpu.enqueue_dma source(%dma_start3A_58 : memref<40x128xi32, #tpu.memory_space<hbm>>) target(%arg8 : memref<40x128xi32, #tpu.memory_space<vmem>>) target_semaphore(%run_scoped3A_50 : memref<!tpu.dma_semaphore, #tpu.memory_space<semaphore_mem>>)
      %dma_wait3A_59 = arith.constant 0 : i32
      %dma_wait3A_60 = arith.constant 0 : i32
      %dma_wait3A_61 = tpu.memref_slice %arg4[%add3A, %dma_wait3A_59, %dma_wait3A_60] : memref<32x40x128xi32, #tpu.memory_space<hbm>> -> memref<1x40x128xi32, #tpu.memory_space<hbm>>
      %dma_wait3A_62 = tpu.memref_squeeze %dma_wait3A_61 : memref<1x40x128xi32, #tpu.memory_space<hbm>> -> memref<40x128xi32, #tpu.memory_space<hbm>>
      %dma_wait3A_63 = arith.constant 0 : i32
      %dma_wait3A_64 = arith.constant 0 : i32
      %dma_wait3A_65 = tpu.memref_slice %arg4[%add3A, %dma_wait3A_63, %dma_wait3A_64] : memref<32x40x128xi32, #tpu.memory_space<hbm>> -> memref<1x40x128xi32, #tpu.memory_space<hbm>>
      %dma_wait3A_66 = tpu.memref_squeeze %dma_wait3A_65 : memref<1x40x128xi32, #tpu.memory_space<hbm>> -> memref<40x128xi32, #tpu.memory_space<hbm>>
      tpu.wait_dma2 semaphore(%run_scoped3A_50 : memref<!tpu.dma_semaphore, #tpu.memory_space<semaphore_mem>>) src(%dma_wait3A_66 : memref<40x128xi32, #tpu.memory_space<hbm>>) dst(%arg8 : memref<40x128xi32, #tpu.memory_space<vmem>>)
      tpu.yield
    }) : () -> ()
    "tpu.region"() ({
      %run_scoped3A_50 = tpu.sem_alloc : memref<!tpu.dma_semaphore, #tpu.memory_space<semaphore_mem>>
      %dma_start3A_51 = arith.constant 0 : i32
      %dma_start3A_52 = arith.constant 0 : i32
      %dma_start3A_53 = tpu.memref_slice %arg5[%add3A, %dma_start3A_51, %dma_start3A_52] : memref<32x40x128xf32, #tpu.memory_space<hbm>> -> memref<1x40x128xf32, #tpu.memory_space<hbm>>
      %dma_start3A_54 = tpu.memref_squeeze %dma_start3A_53 : memref<1x40x128xf32, #tpu.memory_space<hbm>> -> memref<40x128xf32, #tpu.memory_space<hbm>>
      %dma_start3A_55 = arith.constant 0 : i32
      %dma_start3A_56 = arith.constant 0 : i32
      %dma_start3A_57 = tpu.memref_slice %arg5[%add3A, %dma_start3A_55, %dma_start3A_56] : memref<32x40x128xf32, #tpu.memory_space<hbm>> -> memref<1x40x128xf32, #tpu.memory_space<hbm>>
      %dma_start3A_58 = tpu.memref_squeeze %dma_start3A_57 : memref<1x40x128xf32, #tpu.memory_space<hbm>> -> memref<40x128xf32, #tpu.memory_space<hbm>>
      tpu.enqueue_dma source(%dma_start3A_58 : memref<40x128xf32, #tpu.memory_space<hbm>>) target(%arg9 : memref<40x128xf32, #tpu.memory_space<vmem>>) target_semaphore(%run_scoped3A_50 : memref<!tpu.dma_semaphore, #tpu.memory_space<semaphore_mem>>)
      %dma_wait3A_59 = arith.constant 0 : i32
      %dma_wait3A_60 = arith.constant 0 : i32
      %dma_wait3A_61 = tpu.memref_slice %arg5[%add3A, %dma_wait3A_59, %dma_wait3A_60] : memref<32x40x128xf32, #tpu.memory_space<hbm>> -> memref<1x40x128xf32, #tpu.memory_space<hbm>>
      %dma_wait3A_62 = tpu.memref_squeeze %dma_wait3A_61 : memref<1x40x128xf32, #tpu.memory_space<hbm>> -> memref<40x128xf32, #tpu.memory_space<hbm>>
      %dma_wait3A_63 = arith.constant 0 : i32
      %dma_wait3A_64 = arith.constant 0 : i32
      %dma_wait3A_65 = tpu.memref_slice %arg5[%add3A, %dma_wait3A_63, %dma_wait3A_64] : memref<32x40x128xf32, #tpu.memory_space<hbm>> -> memref<1x40x128xf32, #tpu.memory_space<hbm>>
      %dma_wait3A_66 = tpu.memref_squeeze %dma_wait3A_65 : memref<1x40x128xf32, #tpu.memory_space<hbm>> -> memref<40x128xf32, #tpu.memory_space<hbm>>
      tpu.wait_dma2 semaphore(%run_scoped3A_50 : memref<!tpu.dma_semaphore, #tpu.memory_space<semaphore_mem>>) src(%dma_wait3A_66 : memref<40x128xf32, #tpu.memory_space<hbm>>) dst(%arg9 : memref<40x128xf32, #tpu.memory_space<vmem>>)
      tpu.yield
    }) : () -> ()
    %broadcast_in_dim3A = arith.constant 0.000000e+00 : f32
    %broadcast_in_dim3A_1 = vector.broadcast %broadcast_in_dim3A : f32 to vector<16xf32>
    %scan3A = arith.constant 0 : i32
    %scan3A_2 = arith.constant 128 : i32
    %scan3A_3 = arith.addi %scan3A, %scan3A_2 : i32
    %scan3A_4 = arith.constant 1 : i32
    scf.for %scan3A_50 = %scan3A to %scan3A_3 step %scan3A_4  : i32 {
      %mul3A_51 = arith.constant 1 : i32
      %mul3A_52 = arith.muli %scan3A_50, %mul3A_51 : i32
      %add3A_53 = arith.constant 0 : i32
      %add3A_54 = arith.addi %add3A_53, %mul3A_52 : i32
      %swap3A = arith.constant 0 : i32
      %swap3A_55 = arith.index_cast %swap3A : i32 to index
      %swap3A_56 = arith.index_cast %add3A_54 : i32 to index
      %swap3A_57 = arith.constant 0 : index
      %swap3A_58 = tpu.vector_load %arg10[%swap3A_55, %swap3A_56, %swap3A_57] {strides = array<i32>} : memref<2x128x128xf32, #tpu.memory_space<vmem>>, vector<1x1x16xf32>,
      %swap3A_59 = vector.shape_cast %swap3A_58 : vector<1x1x16xf32> to vector<16xf32>
      %swap3A_60 = vector.shape_cast %broadcast_in_dim3A_1 : vector<16xf32> to vector<1x1x16xf32>
      tpu.vector_store %arg10[%swap3A_55, %swap3A_56, %swap3A_57], %swap3A_60 {strides = array<i32>} : memref<2x128x128xf32, #tpu.memory_space<vmem>>, vector<1x1x16xf32>,
      %swap3A_61 = arith.constant 0 : i32
      %swap3A_62 = arith.index_cast %swap3A_61 : i32 to index
      %swap3A_63 = arith.index_cast %add3A_54 : i32 to index
      %swap3A_64 = arith.constant 16 : index
      %swap3A_65 = tpu.vector_load %arg10[%swap3A_62, %swap3A_63, %swap3A_64] {strides = array<i32>} : memref<2x128x128xf32, #tpu.memory_space<vmem>>, vector<1x1x16xf32>,
      %swap3A_66 = vector.shape_cast %swap3A_65 : vector<1x1x16xf32> to vector<16xf32>
      %swap3A_67 = vector.shape_cast %broadcast_in_dim3A_1 : vector<16xf32> to vector<1x1x16xf32>
      tpu.vector_store %arg10[%swap3A_62, %swap3A_63, %swap3A_64], %swap3A_67 {strides = array<i32>} : memref<2x128x128xf32, #tpu.memory_space<vmem>>, vector<1x1x16xf32>,
      %swap3A_68 = arith.constant 0 : i32
      %swap3A_69 = arith.index_cast %swap3A_68 : i32 to index
      %swap3A_70 = arith.index_cast %add3A_54 : i32 to index
      %swap3A_71 = arith.constant 32 : index
      %swap3A_72 = tpu.vector_load %arg10[%swap3A_69, %swap3A_70, %swap3A_71] {strides = array<i32>} : memref<2x128x128xf32, #tpu.memory_space<vmem>>, vector<1x1x16xf32>,
      %swap3A_73 = vector.shape_cast %swap3A_72 : vector<1x1x16xf32> to vector<16xf32>
      %swap3A_74 = vector.shape_cast %broadcast_in_dim3A_1 : vector<16xf32> to vector<1x1x16xf32>
      tpu.vector_store %arg10[%swap3A_69, %swap3A_70, %swap3A_71], %swap3A_74 {strides = array<i32>} : memref<2x128x128xf32, #tpu.memory_space<vmem>>, vector<1x1x16xf32>,
      %swap3A_75 = arith.constant 0 : i32
      %swap3A_76 = arith.index_cast %swap3A_75 : i32 to index
      %swap3A_77 = arith.index_cast %add3A_54 : i32 to index
      %swap3A_78 = arith.constant 48 : index
      %swap3A_79 = tpu.vector_load %arg10[%swap3A_76, %swap3A_77, %swap3A_78] {strides = array<i32>} : memref<2x128x128xf32, #tpu.memory_space<vmem>>, vector<1x1x16xf32>,
      %swap3A_80 = vector.shape_cast %swap3A_79 : vector<1x1x16xf32> to vector<16xf32>
      %swap3A_81 = vector.shape_cast %broadcast_in_dim3A_1 : vector<16xf32> to vector<1x1x16xf32>
      tpu.vector_store %arg10[%swap3A_76, %swap3A_77, %swap3A_78], %swap3A_81 {strides = array<i32>} : memref<2x128x128xf32, #tpu.memory_space<vmem>>, vector<1x1x16xf32>,
      %swap3A_82 = arith.constant 0 : i32
      %swap3A_83 = arith.index_cast %swap3A_82 : i32 to index
      %swap3A_84 = arith.index_cast %add3A_54 : i32 to index
      %swap3A_85 = arith.constant 64 : index
      %swap3A_86 = tpu.vector_load %arg10[%swap3A_83, %swap3A_84, %swap3A_85] {strides = array<i32>} : memref<2x128x128xf32, #tpu.memory_space<vmem>>, vector<1x1x16xf32>,
      %swap3A_87 = vector.shape_cast %swap3A_86 : vector<1x1x16xf32> to vector<16xf32>
      %swap3A_88 = vector.shape_cast %broadcast_in_dim3A_1 : vector<16xf32> to vector<1x1x16xf32>
      tpu.vector_store %arg10[%swap3A_83, %swap3A_84, %swap3A_85], %swap3A_88 {strides = array<i32>} : memref<2x128x128xf32, #tpu.memory_space<vmem>>, vector<1x1x16xf32>,
      %swap3A_89 = arith.constant 0 : i32
      %swap3A_90 = arith.index_cast %swap3A_89 : i32 to index
      %swap3A_91 = arith.index_cast %add3A_54 : i32 to index
      %swap3A_92 = arith.constant 80 : index
      %swap3A_93 = tpu.vector_load %arg10[%swap3A_90, %swap3A_91, %swap3A_92] {strides = array<i32>} : memref<2x128x128xf32, #tpu.memory_space<vmem>>, vector<1x1x16xf32>,
      %swap3A_94 = vector.shape_cast %swap3A_93 : vector<1x1x16xf32> to vector<16xf32>
      %swap3A_95 = vector.shape_cast %broadcast_in_dim3A_1 : vector<16xf32> to vector<1x1x16xf32>
      tpu.vector_store %arg10[%swap3A_90, %swap3A_91, %swap3A_92], %swap3A_95 {strides = array<i32>} : memref<2x128x128xf32, #tpu.memory_space<vmem>>, vector<1x1x16xf32>,
      %swap3A_96 = arith.constant 0 : i32
      %swap3A_97 = arith.index_cast %swap3A_96 : i32 to index
      %swap3A_98 = arith.index_cast %add3A_54 : i32 to index
      %swap3A_99 = arith.constant 96 : index
      %swap3A_100 = tpu.vector_load %arg10[%swap3A_97, %swap3A_98, %swap3A_99] {strides = array<i32>} : memref<2x128x128xf32, #tpu.memory_space<vmem>>, vector<1x1x16xf32>,
      %swap3A_101 = vector.shape_cast %swap3A_100 : vector<1x1x16xf32> to vector<16xf32>
      %swap3A_102 = vector.shape_cast %broadcast_in_dim3A_1 : vector<16xf32> to vector<1x1x16xf32>
      tpu.vector_store %arg10[%swap3A_97, %swap3A_98, %swap3A_99], %swap3A_102 {strides = array<i32>} : memref<2x128x128xf32, #tpu.memory_space<vmem>>, vector<1x1x16xf32>,
      %swap3A_103 = arith.constant 0 : i32
      %swap3A_104 = arith.index_cast %swap3A_103 : i32 to index
      %swap3A_105 = arith.index_cast %add3A_54 : i32 to index
      %swap3A_106 = arith.constant 112 : index
      %swap3A_107 = tpu.vector_load %arg10[%swap3A_104, %swap3A_105, %swap3A_106] {strides = array<i32>} : memref<2x128x128xf32, #tpu.memory_space<vmem>>, vector<1x1x16xf32>,
      %swap3A_108 = vector.shape_cast %swap3A_107 : vector<1x1x16xf32> to vector<16xf32>
      %swap3A_109 = vector.shape_cast %broadcast_in_dim3A_1 : vector<16xf32> to vector<1x1x16xf32>
      tpu.vector_store %arg10[%swap3A_104, %swap3A_105, %swap3A_106], %swap3A_109 {strides = array<i32>} : memref<2x128x128xf32, #tpu.memory_space<vmem>>, vector<1x1x16xf32>,
    }
    %scan3A_5 = arith.constant 128 : i32
    %mul3A_6 = arith.constant 640 : i32
    %mul3A_7 = arith.muli %arg1, %mul3A_6 : i32
    %add3A_8 = arith.constant 0 : i32
    %add3A_9 = arith.addi %mul3A_7, %add3A_8 : i32
    %run_scoped3A = arith.constant 0 : i32
    "tpu.region"() ({
      %run_scoped3A_50 = tpu.sem_alloc : memref<!tpu.dma_semaphore, #tpu.memory_space<semaphore_mem>>
      %dma_start3A_51 = arith.constant 0 : i32
      %dma_start3A_52 = arith.constant 0 : i32
      %dma_start3A_53 = tpu.memref_slice %arg10[%run_scoped3A, %dma_start3A_51, %dma_start3A_52] : memref<2x128x128xf32, #tpu.memory_space<vmem>> -> memref<1x128x128xf32, #tpu.memory_space<vmem>>
      %dma_start3A_54 = tpu.memref_squeeze %dma_start3A_53 : memref<1x128x128xf32, #tpu.memory_space<vmem>> -> memref<128x128xf32, #tpu.memory_space<vmem>>
      %dma_start3A_55 = arith.constant 0 : i32
      %dma_start3A_56 = tpu.memref_slice %arg11[%add3A_9, %dma_start3A_55] : memref<10240x128xf32, #tpu.memory_space<vmem_shared>> -> memref<128x128xf32, #tpu.memory_space<vmem_shared>>
      %dma_start3A_57 = arith.constant 0 : i32
      %dma_start3A_58 = tpu.memref_slice %arg11[%add3A_9, %dma_start3A_57] : memref<10240x128xf32, #tpu.memory_space<vmem_shared>> -> memref<128x128xf32, #tpu.memory_space<vmem_shared>>
      %dma_start3A_59 = arith.constant 0 : i32
      %dma_start3A_60 = arith.constant 0 : i32
      %dma_start3A_61 = tpu.memref_slice %arg10[%run_scoped3A, %dma_start3A_59, %dma_start3A_60] : memref<2x128x128xf32, #tpu.memory_space<vmem>> -> memref<1x128x128xf32, #tpu.memory_space<vmem>>
      %dma_start3A_62 = tpu.memref_squeeze %dma_start3A_61 : memref<1x128x128xf32, #tpu.memory_space<vmem>> -> memref<128x128xf32, #tpu.memory_space<vmem>>
      tpu.enqueue_dma source(%dma_start3A_62 : memref<128x128xf32, #tpu.memory_space<vmem>>) target(%dma_start3A_58 : memref<128x128xf32, #tpu.memory_space<vmem_shared>>) target_semaphore(%run_scoped3A_50 : memref<!tpu.dma_semaphore, #tpu.memory_space<semaphore_mem>>)
      %dma_wait3A_63 = arith.constant 0 : i32
      %dma_wait3A_64 = arith.constant 0 : i32
      %dma_wait3A_65 = tpu.memref_slice %arg10[%run_scoped3A, %dma_wait3A_63, %dma_wait3A_64] : memref<2x128x128xf32, #tpu.memory_space<vmem>> -> memref<1x128x128xf32, #tpu.memory_space<vmem>>
      %dma_wait3A_66 = tpu.memref_squeeze %dma_wait3A_65 : memref<1x128x128xf32, #tpu.memory_space<vmem>> -> memref<128x128xf32, #tpu.memory_space<vmem>>
      %dma_wait3A_67 = arith.constant 0 : i32
      %dma_wait3A_68 = tpu.memref_slice %arg11[%add3A_9, %dma_wait3A_67] : memref<10240x128xf32, #tpu.memory_space<vmem_shared>> -> memref<128x128xf32, #tpu.memory_space<vmem_shared>>
      %dma_wait3A_69 = arith.constant 0 : i32
      %dma_wait3A_70 = tpu.memref_slice %arg11[%add3A_9, %dma_wait3A_69] : memref<10240x128xf32, #tpu.memory_space<vmem_shared>> -> memref<128x128xf32, #tpu.memory_space<vmem_shared>>
      %dma_wait3A_71 = arith.constant 0 : i32
      %dma_wait3A_72 = arith.constant 0 : i32
      %dma_wait3A_73 = tpu.memref_slice %arg10[%run_scoped3A, %dma_wait3A_71, %dma_wait3A_72] : memref<2x128x128xf32, #tpu.memory_space<vmem>> -> memref<1x128x128xf32, #tpu.memory_space<vmem>>
      %dma_wait3A_74 = tpu.memref_squeeze %dma_wait3A_73 : memref<1x128x128xf32, #tpu.memory_space<vmem>> -> memref<128x128xf32, #tpu.memory_space<vmem>>
      tpu.wait_dma2 semaphore(%run_scoped3A_50 : memref<!tpu.dma_semaphore, #tpu.memory_space<semaphore_mem>>) src(%dma_wait3A_74 : memref<128x128xf32, #tpu.memory_space<vmem>>) dst(%dma_wait3A_70 : memref<128x128xf32, #tpu.memory_space<vmem_shared>>)
      tpu.yield
    }) : () -> ()
    %add3A_10 = arith.constant 128 : i32
    %add3A_11 = arith.addi %mul3A_7, %add3A_10 : i32
    %run_scoped3A_12 = arith.constant 0 : i32
    "tpu.region"() ({
      %run_scoped3A_50 = tpu.sem_alloc : memref<!tpu.dma_semaphore, #tpu.memory_space<semaphore_mem>>
      %dma_start3A_51 = arith.constant 0 : i32
      %dma_start3A_52 = arith.constant 0 : i32
      %dma_start3A_53 = tpu.memref_slice %arg10[%run_scoped3A_12, %dma_start3A_51, %dma_start3A_52] : memref<2x128x128xf32, #tpu.memory_space<vmem>> -> memref<1x128x128xf32, #tpu.memory_space<vmem>>
      %dma_start3A_54 = tpu.memref_squeeze %dma_start3A_53 : memref<1x128x128xf32, #tpu.memory_space<vmem>> -> memref<128x128xf32, #tpu.memory_space<vmem>>
      %dma_start3A_55 = arith.constant 0 : i32
      %dma_start3A_56 = tpu.memref_slice %arg11[%add3A_11, %dma_start3A_55] : memref<10240x128xf32, #tpu.memory_space<vmem_shared>> -> memref<128x128xf32, #tpu.memory_space<vmem_shared>>
      %dma_start3A_57 = arith.constant 0 : i32
      %dma_start3A_58 = tpu.memref_slice %arg11[%add3A_11, %dma_start3A_57] : memref<10240x128xf32, #tpu.memory_space<vmem_shared>> -> memref<128x128xf32, #tpu.memory_space<vmem_shared>>
      %dma_start3A_59 = arith.constant 0 : i32
      %dma_start3A_60 = arith.constant 0 : i32
      %dma_start3A_61 = tpu.memref_slice %arg10[%run_scoped3A_12, %dma_start3A_59, %dma_start3A_60] : memref<2x128x128xf32, #tpu.memory_space<vmem>> -> memref<1x128x128xf32, #tpu.memory_space<vmem>>
      %dma_start3A_62 = tpu.memref_squeeze %dma_start3A_61 : memref<1x128x128xf32, #tpu.memory_space<vmem>> -> memref<128x128xf32, #tpu.memory_space<vmem>>
      tpu.enqueue_dma source(%dma_start3A_62 : memref<128x128xf32, #tpu.memory_space<vmem>>) target(%dma_start3A_58 : memref<128x128xf32, #tpu.memory_space<vmem_shared>>) target_semaphore(%run_scoped3A_50 : memref<!tpu.dma_semaphore, #tpu.memory_space<semaphore_mem>>)
      %dma_wait3A_63 = arith.constant 0 : i32
      %dma_wait3A_64 = arith.constant 0 : i32
      %dma_wait3A_65 = tpu.memref_slice %arg10[%run_scoped3A_12, %dma_wait3A_63, %dma_wait3A_64] : memref<2x128x128xf32, #tpu.memory_space<vmem>> -> memref<1x128x128xf32, #tpu.memory_space<vmem>>
      %dma_wait3A_66 = tpu.memref_squeeze %dma_wait3A_65 : memref<1x128x128xf32, #tpu.memory_space<vmem>> -> memref<128x128xf32, #tpu.memory_space<vmem>>
      %dma_wait3A_67 = arith.constant 0 : i32
      %dma_wait3A_68 = tpu.memref_slice %arg11[%add3A_11, %dma_wait3A_67] : memref<10240x128xf32, #tpu.memory_space<vmem_shared>> -> memref<128x128xf32, #tpu.memory_space<vmem_shared>>
      %dma_wait3A_69 = arith.constant 0 : i32
      %dma_wait3A_70 = tpu.memref_slice %arg11[%add3A_11, %dma_wait3A_69] : memref<10240x128xf32, #tpu.memory_space<vmem_shared>> -> memref<128x128xf32, #tpu.memory_space<vmem_shared>>
      %dma_wait3A_71 = arith.constant 0 : i32
      %dma_wait3A_72 = arith.constant 0 : i32
      %dma_wait3A_73 = tpu.memref_slice %arg10[%run_scoped3A_12, %dma_wait3A_71, %dma_wait3A_72] : memref<2x128x128xf32, #tpu.memory_space<vmem>> -> memref<1x128x128xf32, #tpu.memory_space<vmem>>
      %dma_wait3A_74 = tpu.memref_squeeze %dma_wait3A_73 : memref<1x128x128xf32, #tpu.memory_space<vmem>> -> memref<128x128xf32, #tpu.memory_space<vmem>>
      tpu.wait_dma2 semaphore(%run_scoped3A_50 : memref<!tpu.dma_semaphore, #tpu.memory_space<semaphore_mem>>) src(%dma_wait3A_74 : memref<128x128xf32, #tpu.memory_space<vmem>>) dst(%dma_wait3A_70 : memref<128x128xf32, #tpu.memory_space<vmem_shared>>)
      tpu.yield
    }) : () -> ()
    %add3A_13 = arith.constant 256 : i32
    %add3A_14 = arith.addi %mul3A_7, %add3A_13 : i32
    %run_scoped3A_15 = arith.constant 0 : i32
    "tpu.region"() ({
      %run_scoped3A_50 = tpu.sem_alloc : memref<!tpu.dma_semaphore, #tpu.memory_space<semaphore_mem>>
      %dma_start3A_51 = arith.constant 0 : i32
      %dma_start3A_52 = arith.constant 0 : i32
      %dma_start3A_53 = tpu.memref_slice %arg10[%run_scoped3A_15, %dma_start3A_51, %dma_start3A_52] : memref<2x128x128xf32, #tpu.memory_space<vmem>> -> memref<1x128x128xf32, #tpu.memory_space<vmem>>
      %dma_start3A_54 = tpu.memref_squeeze %dma_start3A_53 : memref<1x128x128xf32, #tpu.memory_space<vmem>> -> memref<128x128xf32, #tpu.memory_space<vmem>>
      %dma_start3A_55 = arith.constant 0 : i32
      %dma_start3A_56 = tpu.memref_slice %arg11[%add3A_14, %dma_start3A_55] : memref<10240x128xf32, #tpu.memory_space<vmem_shared>> -> memref<128x128xf32, #tpu.memory_space<vmem_shared>>
      %dma_start3A_57 = arith.constant 0 : i32
      %dma_start3A_58 = tpu.memref_slice %arg11[%add3A_14, %dma_start3A_57] : memref<10240x128xf32, #tpu.memory_space<vmem_shared>> -> memref<128x128xf32, #tpu.memory_space<vmem_shared>>
      %dma_start3A_59 = arith.constant 0 : i32
      %dma_start3A_60 = arith.constant 0 : i32
      %dma_start3A_61 = tpu.memref_slice %arg10[%run_scoped3A_15, %dma_start3A_59, %dma_start3A_60] : memref<2x128x128xf32, #tpu.memory_space<vmem>> -> memref<1x128x128xf32, #tpu.memory_space<vmem>>
      %dma_start3A_62 = tpu.memref_squeeze %dma_start3A_61 : memref<1x128x128xf32, #tpu.memory_space<vmem>> -> memref<128x128xf32, #tpu.memory_space<vmem>>
      tpu.enqueue_dma source(%dma_start3A_62 : memref<128x128xf32, #tpu.memory_space<vmem>>) target(%dma_start3A_58 : memref<128x128xf32, #tpu.memory_space<vmem_shared>>) target_semaphore(%run_scoped3A_50 : memref<!tpu.dma_semaphore, #tpu.memory_space<semaphore_mem>>)
      %dma_wait3A_63 = arith.constant 0 : i32
      %dma_wait3A_64 = arith.constant 0 : i32
      %dma_wait3A_65 = tpu.memref_slice %arg10[%run_scoped3A_15, %dma_wait3A_63, %dma_wait3A_64] : memref<2x128x128xf32, #tpu.memory_space<vmem>> -> memref<1x128x128xf32, #tpu.memory_space<vmem>>
      %dma_wait3A_66 = tpu.memref_squeeze %dma_wait3A_65 : memref<1x128x128xf32, #tpu.memory_space<vmem>> -> memref<128x128xf32, #tpu.memory_space<vmem>>
      %dma_wait3A_67 = arith.constant 0 : i32
      %dma_wait3A_68 = tpu.memref_slice %arg11[%add3A_14, %dma_wait3A_67] : memref<10240x128xf32, #tpu.memory_space<vmem_shared>> -> memref<128x128xf32, #tpu.memory_space<vmem_shared>>
      %dma_wait3A_69 = arith.constant 0 : i32
      %dma_wait3A_70 = tpu.memref_slice %arg11[%add3A_14, %dma_wait3A_69] : memref<10240x128xf32, #tpu.memory_space<vmem_shared>> -> memref<128x128xf32, #tpu.memory_space<vmem_shared>>
      %dma_wait3A_71 = arith.constant 0 : i32
      %dma_wait3A_72 = arith.constant 0 : i32
      %dma_wait3A_73 = tpu.memref_slice %arg10[%run_scoped3A_15, %dma_wait3A_71, %dma_wait3A_72] : memref<2x128x128xf32, #tpu.memory_space<vmem>> -> memref<1x128x128xf32, #tpu.memory_space<vmem>>
      %dma_wait3A_74 = tpu.memref_squeeze %dma_wait3A_73 : memref<1x128x128xf32, #tpu.memory_space<vmem>> -> memref<128x128xf32, #tpu.memory_space<vmem>>
      tpu.wait_dma2 semaphore(%run_scoped3A_50 : memref<!tpu.dma_semaphore, #tpu.memory_space<semaphore_mem>>) src(%dma_wait3A_74 : memref<128x128xf32, #tpu.memory_space<vmem>>) dst(%dma_wait3A_70 : memref<128x128xf32, #tpu.memory_space<vmem_shared>>)
      tpu.yield
    }) : () -> ()
    %add3A_16 = arith.constant 384 : i32
    %add3A_17 = arith.addi %mul3A_7, %add3A_16 : i32
    %run_scoped3A_18 = arith.constant 0 : i32
    "tpu.region"() ({
      %run_scoped3A_50 = tpu.sem_alloc : memref<!tpu.dma_semaphore, #tpu.memory_space<semaphore_mem>>
      %dma_start3A_51 = arith.constant 0 : i32
      %dma_start3A_52 = arith.constant 0 : i32
      %dma_start3A_53 = tpu.memref_slice %arg10[%run_scoped3A_18, %dma_start3A_51, %dma_start3A_52] : memref<2x128x128xf32, #tpu.memory_space<vmem>> -> memref<1x128x128xf32, #tpu.memory_space<vmem>>
      %dma_start3A_54 = tpu.memref_squeeze %dma_start3A_53 : memref<1x128x128xf32, #tpu.memory_space<vmem>> -> memref<128x128xf32, #tpu.memory_space<vmem>>
      %dma_start3A_55 = arith.constant 0 : i32
      %dma_start3A_56 = tpu.memref_slice %arg11[%add3A_17, %dma_start3A_55] : memref<10240x128xf32, #tpu.memory_space<vmem_shared>> -> memref<128x128xf32, #tpu.memory_space<vmem_shared>>
      %dma_start3A_57 = arith.constant 0 : i32
      %dma_start3A_58 = tpu.memref_slice %arg11[%add3A_17, %dma_start3A_57] : memref<10240x128xf32, #tpu.memory_space<vmem_shared>> -> memref<128x128xf32, #tpu.memory_space<vmem_shared>>
      %dma_start3A_59 = arith.constant 0 : i32
      %dma_start3A_60 = arith.constant 0 : i32
      %dma_start3A_61 = tpu.memref_slice %arg10[%run_scoped3A_18, %dma_start3A_59, %dma_start3A_60] : memref<2x128x128xf32, #tpu.memory_space<vmem>> -> memref<1x128x128xf32, #tpu.memory_space<vmem>>
      %dma_start3A_62 = tpu.memref_squeeze %dma_start3A_61 : memref<1x128x128xf32, #tpu.memory_space<vmem>> -> memref<128x128xf32, #tpu.memory_space<vmem>>
      tpu.enqueue_dma source(%dma_start3A_62 : memref<128x128xf32, #tpu.memory_space<vmem>>) target(%dma_start3A_58 : memref<128x128xf32, #tpu.memory_space<vmem_shared>>) target_semaphore(%run_scoped3A_50 : memref<!tpu.dma_semaphore, #tpu.memory_space<semaphore_mem>>)
      %dma_wait3A_63 = arith.constant 0 : i32
      %dma_wait3A_64 = arith.constant 0 : i32
      %dma_wait3A_65 = tpu.memref_slice %arg10[%run_scoped3A_18, %dma_wait3A_63, %dma_wait3A_64] : memref<2x128x128xf32, #tpu.memory_space<vmem>> -> memref<1x128x128xf32, #tpu.memory_space<vmem>>
      %dma_wait3A_66 = tpu.memref_squeeze %dma_wait3A_65 : memref<1x128x128xf32, #tpu.memory_space<vmem>> -> memref<128x128xf32, #tpu.memory_space<vmem>>
      %dma_wait3A_67 = arith.constant 0 : i32
      %dma_wait3A_68 = tpu.memref_slice %arg11[%add3A_17, %dma_wait3A_67] : memref<10240x128xf32, #tpu.memory_space<vmem_shared>> -> memref<128x128xf32, #tpu.memory_space<vmem_shared>>
      %dma_wait3A_69 = arith.constant 0 : i32
      %dma_wait3A_70 = tpu.memref_slice %arg11[%add3A_17, %dma_wait3A_69] : memref<10240x128xf32, #tpu.memory_space<vmem_shared>> -> memref<128x128xf32, #tpu.memory_space<vmem_shared>>
      %dma_wait3A_71 = arith.constant 0 : i32
      %dma_wait3A_72 = arith.constant 0 : i32
      %dma_wait3A_73 = tpu.memref_slice %arg10[%run_scoped3A_18, %dma_wait3A_71, %dma_wait3A_72] : memref<2x128x128xf32, #tpu.memory_space<vmem>> -> memref<1x128x128xf32, #tpu.memory_space<vmem>>
      %dma_wait3A_74 = tpu.memref_squeeze %dma_wait3A_73 : memref<1x128x128xf32, #tpu.memory_space<vmem>> -> memref<128x128xf32, #tpu.memory_space<vmem>>
      tpu.wait_dma2 semaphore(%run_scoped3A_50 : memref<!tpu.dma_semaphore, #tpu.memory_space<semaphore_mem>>) src(%dma_wait3A_74 : memref<128x128xf32, #tpu.memory_space<vmem>>) dst(%dma_wait3A_70 : memref<128x128xf32, #tpu.memory_space<vmem_shared>>)
      tpu.yield
    }) : () -> ()
    %add3A_19 = arith.constant 512 : i32
    %add3A_20 = arith.addi %mul3A_7, %add3A_19 : i32
    %run_scoped3A_21 = arith.constant 0 : i32
    "tpu.region"() ({
      %run_scoped3A_50 = tpu.sem_alloc : memref<!tpu.dma_semaphore, #tpu.memory_space<semaphore_mem>>
      %dma_start3A_51 = arith.constant 0 : i32
      %dma_start3A_52 = arith.constant 0 : i32
      %dma_start3A_53 = tpu.memref_slice %arg10[%run_scoped3A_21, %dma_start3A_51, %dma_start3A_52] : memref<2x128x128xf32, #tpu.memory_space<vmem>> -> memref<1x128x128xf32, #tpu.memory_space<vmem>>
      %dma_start3A_54 = tpu.memref_squeeze %dma_start3A_53 : memref<1x128x128xf32, #tpu.memory_space<vmem>> -> memref<128x128xf32, #tpu.memory_space<vmem>>
      %dma_start3A_55 = arith.constant 0 : i32
      %dma_start3A_56 = tpu.memref_slice %arg11[%add3A_20, %dma_start3A_55] : memref<10240x128xf32, #tpu.memory_space<vmem_shared>> -> memref<128x128xf32, #tpu.memory_space<vmem_shared>>
      %dma_start3A_57 = arith.constant 0 : i32
      %dma_start3A_58 = tpu.memref_slice %arg11[%add3A_20, %dma_start3A_57] : memref<10240x128xf32, #tpu.memory_space<vmem_shared>> -> memref<128x128xf32, #tpu.memory_space<vmem_shared>>
      %dma_start3A_59 = arith.constant 0 : i32
      %dma_start3A_60 = arith.constant 0 : i32
      %dma_start3A_61 = tpu.memref_slice %arg10[%run_scoped3A_21, %dma_start3A_59, %dma_start3A_60] : memref<2x128x128xf32, #tpu.memory_space<vmem>> -> memref<1x128x128xf32, #tpu.memory_space<vmem>>
      %dma_start3A_62 = tpu.memref_squeeze %dma_start3A_61 : memref<1x128x128xf32, #tpu.memory_space<vmem>> -> memref<128x128xf32, #tpu.memory_space<vmem>>
      tpu.enqueue_dma source(%dma_start3A_62 : memref<128x128xf32, #tpu.memory_space<vmem>>) target(%dma_start3A_58 : memref<128x128xf32, #tpu.memory_space<vmem_shared>>) target_semaphore(%run_scoped3A_50 : memref<!tpu.dma_semaphore, #tpu.memory_space<semaphore_mem>>)
      %dma_wait3A_63 = arith.constant 0 : i32
      %dma_wait3A_64 = arith.constant 0 : i32
      %dma_wait3A_65 = tpu.memref_slice %arg10[%run_scoped3A_21, %dma_wait3A_63, %dma_wait3A_64] : memref<2x128x128xf32, #tpu.memory_space<vmem>> -> memref<1x128x128xf32, #tpu.memory_space<vmem>>
      %dma_wait3A_66 = tpu.memref_squeeze %dma_wait3A_65 : memref<1x128x128xf32, #tpu.memory_space<vmem>> -> memref<128x128xf32, #tpu.memory_space<vmem>>
      %dma_wait3A_67 = arith.constant 0 : i32
      %dma_wait3A_68 = tpu.memref_slice %arg11[%add3A_20, %dma_wait3A_67] : memref<10240x128xf32, #tpu.memory_space<vmem_shared>> -> memref<128x128xf32, #tpu.memory_space<vmem_shared>>
      %dma_wait3A_69 = arith.constant 0 : i32
      %dma_wait3A_70 = tpu.memref_slice %arg11[%add3A_20, %dma_wait3A_69] : memref<10240x128xf32, #tpu.memory_space<vmem_shared>> -> memref<128x128xf32, #tpu.memory_space<vmem_shared>>
      %dma_wait3A_71 = arith.constant 0 : i32
      %dma_wait3A_72 = arith.constant 0 : i32
      %dma_wait3A_73 = tpu.memref_slice %arg10[%run_scoped3A_21, %dma_wait3A_71, %dma_wait3A_72] : memref<2x128x128xf32, #tpu.memory_space<vmem>> -> memref<1x128x128xf32, #tpu.memory_space<vmem>>
      %dma_wait3A_74 = tpu.memref_squeeze %dma_wait3A_73 : memref<1x128x128xf32, #tpu.memory_space<vmem>> -> memref<128x128xf32, #tpu.memory_space<vmem>>
      tpu.wait_dma2 semaphore(%run_scoped3A_50 : memref<!tpu.dma_semaphore, #tpu.memory_space<semaphore_mem>>) src(%dma_wait3A_74 : memref<128x128xf32, #tpu.memory_space<vmem>>) dst(%dma_wait3A_70 : memref<128x128xf32, #tpu.memory_space<vmem_shared>>)
      tpu.yield
    }) : () -> ()
    %barrier3A = arith.constant 0 : index
    tpu.barrier barrier_id(%barrier3A)
    %dma_start3A = arith.constant 0 : i32
    %dma_start3A_22 = arith.constant 0 : i32
    %dma_start3A_23 = arith.constant 0 : i32
    %dma_start3A_24 = arith.constant 0 : i32
    %dma_start3A_25 = tpu.memref_slice %arg10[%dma_start3A_22, %dma_start3A_23, %dma_start3A_24] : memref<2x128x128xf32, #tpu.memory_space<vmem>> -> memref<1x128x128xf32, #tpu.memory_space<vmem>>
    %dma_start3A_26 = tpu.memref_squeeze %dma_start3A_25 : memref<1x128x128xf32, #tpu.memory_space<vmem>> -> memref<128x128xf32, #tpu.memory_space<vmem>>
    %dma_start3A_27 = arith.constant 0 : i32
    %dma_start3A_28 = tpu.memref_slice %arg7[%dma_start3A, %dma_start3A_27] : memref<40x128xi32, #tpu.memory_space<vmem>> -> memref<1x128xi32, #tpu.memory_space<vmem>>
    %dma_start3A_29 = tpu.memref_squeeze %dma_start3A_28 : memref<1x128xi32, #tpu.memory_space<vmem>> -> memref<128xi32, #tpu.memory_space<vmem>>
    %dma_start3A_30 = arith.constant 0 : i32
    %dma_start3A_31 = arith.constant 0 : i32
    %dma_start3A_32 = tpu.memref_slice %arg2[%dma_start3A_30, %dma_start3A_31] : memref<10240x128xf32, #tpu.memory_space<hbm>> -> memref<10240x128xf32, #tpu.memory_space<hbm>>
    tpu.enqueue_indirect_dma source(%dma_start3A_32 : memref<10240x128xf32, #tpu.memory_space<hbm>>) target(%dma_start3A_26 : memref<128x128xf32, #tpu.memory_space<vmem>>) offsets(%dma_start3A_29 : memref<128xi32, #tpu.memory_space<vmem>>) semaphore(%arg12 : memref<!tpu.dma_semaphore, #tpu.memory_space<semaphore_mem>>)
    %scan3A_33 = arith.constant 0 : i32
    %scan3A_34 = arith.constant 40 : i32
    %scan3A_35 = arith.addi %scan3A_33, %scan3A_34 : i32
    %scan3A_36 = arith.constant 1 : i32
    scf.for %scan3A_50 = %scan3A_33 to %scan3A_35 step %scan3A_36  : i32 {
      %mul3A_51 = arith.constant 1 : i32
      %mul3A_52 = arith.muli %scan3A_50, %mul3A_51 : i32
      %add3A_53 = arith.constant 0 : i32
      %add3A_54 = arith.addi %add3A_53, %mul3A_52 : i32
      %rem3A = arith.constant 2 : i32
      %rem3A_55 = arith.remsi %add3A_54, %rem3A : i32
      %sub3A = arith.constant 1 : i32
      %sub3A_56 = arith.subi %sub3A, %rem3A_55 : i32
      %gt3A = arith.constant 0 : i32
      %gt3A_57 = arith.cmpi sgt, %add3A_54, %gt3A : i32
      %convert_element_type3A = arith.extui %gt3A_57 : i1 to i32
      %cond3A = arith.constant 0 : i32
      %cond3A_58 = arith.cmpi ne, %convert_element_type3A, %cond3A : i32
      scf.if %cond3A_58 {
        %sub3A_89 = arith.constant 1 : i32
        %sub3A_90 = arith.subi %add3A_54, %sub3A_89 : i32
        %dma_wait3A_91 = arith.constant 0 : i32
        %dma_wait3A_92 = arith.constant 0 : i32
        %dma_wait3A_93 = tpu.memref_slice %arg10[%sub3A_56, %dma_wait3A_91, %dma_wait3A_92] : memref<2x128x128xf32, #tpu.memory_space<vmem>> -> memref<1x128x128xf32, #tpu.memory_space<vmem>>
        %dma_wait3A_94 = tpu.memref_squeeze %dma_wait3A_93 : memref<1x128x128xf32, #tpu.memory_space<vmem>> -> memref<128x128xf32, #tpu.memory_space<vmem>>
        %dma_wait3A_95 = arith.constant 0 : i32
        %dma_wait3A_96 = tpu.memref_slice %arg8[%sub3A_90, %dma_wait3A_95] : memref<40x128xi32, #tpu.memory_space<vmem>> -> memref<1x128xi32, #tpu.memory_space<vmem>>
        %dma_wait3A_97 = tpu.memref_squeeze %dma_wait3A_96 : memref<1x128xi32, #tpu.memory_space<vmem>> -> memref<128xi32, #tpu.memory_space<vmem>>
        %dma_wait3A_98 = arith.constant 0 : i32
        %dma_wait3A_99 = arith.constant 0 : i32
        %dma_wait3A_100 = tpu.memref_slice %arg11[%dma_wait3A_98, %dma_wait3A_99] : memref<10240x128xf32, #tpu.memory_space<vmem_shared>> -> memref<10240x128xf32, #tpu.memory_space<vmem_shared>>
        tpu.wait_indirect_dma semaphore(%arg13 : memref<!tpu.dma_semaphore, #tpu.memory_space<semaphore_mem>>) src(%dma_wait3A_94 : memref<128x128xf32, #tpu.memory_space<vmem>>) dst(%dma_wait3A_100 : memref<10240x128xf32, #tpu.memory_space<vmem_shared>>)
      } else {
      }
      %add3A_59 = arith.constant 1 : i32
      %add3A_60 = arith.addi %add3A_54, %add3A_59 : i32
      %lt3A = arith.constant 40 : i32
      %lt3A_61 = arith.cmpi slt, %add3A_60, %lt3A : i32
      %convert_element_type3A_62 = arith.extui %lt3A_61 : i1 to i32
      %cond3A_63 = arith.constant 0 : i32
      %cond3A_64 = arith.cmpi ne, %convert_element_type3A_62, %cond3A_63 : i32
      scf.if %cond3A_64 {
        %add3A_89 = arith.constant 1 : i32
        %add3A_90 = arith.addi %add3A_54, %add3A_89 : i32
        %dma_start3A_91 = arith.constant 0 : i32
        %dma_start3A_92 = arith.constant 0 : i32
        %dma_start3A_93 = tpu.memref_slice %arg10[%sub3A_56, %dma_start3A_91, %dma_start3A_92] : memref<2x128x128xf32, #tpu.memory_space<vmem>> -> memref<1x128x128xf32, #tpu.memory_space<vmem>>
        %dma_start3A_94 = tpu.memref_squeeze %dma_start3A_93 : memref<1x128x128xf32, #tpu.memory_space<vmem>> -> memref<128x128xf32, #tpu.memory_space<vmem>>
        %dma_start3A_95 = arith.constant 0 : i32
        %dma_start3A_96 = tpu.memref_slice %arg7[%add3A_90, %dma_start3A_95] : memref<40x128xi32, #tpu.memory_space<vmem>> -> memref<1x128xi32, #tpu.memory_space<vmem>>
        %dma_start3A_97 = tpu.memref_squeeze %dma_start3A_96 : memref<1x128xi32, #tpu.memory_space<vmem>> -> memref<128xi32, #tpu.memory_space<vmem>>
        %dma_start3A_98 = arith.constant 0 : i32
        %dma_start3A_99 = arith.constant 0 : i32
        %dma_start3A_100 = tpu.memref_slice %arg2[%dma_start3A_98, %dma_start3A_99] : memref<10240x128xf32, #tpu.memory_space<hbm>> -> memref<10240x128xf32, #tpu.memory_space<hbm>>
        tpu.enqueue_indirect_dma source(%dma_start3A_100 : memref<10240x128xf32, #tpu.memory_space<hbm>>) target(%dma_start3A_94 : memref<128x128xf32, #tpu.memory_space<vmem>>) offsets(%dma_start3A_97 : memref<128xi32, #tpu.memory_space<vmem>>) semaphore(%arg12 : memref<!tpu.dma_semaphore, #tpu.memory_space<semaphore_mem>>)
      } else {
      }
      %dma_wait3A_65 = arith.constant 0 : i32
      %dma_wait3A_66 = arith.constant 0 : i32
      %dma_wait3A_67 = tpu.memref_slice %arg10[%rem3A_55, %dma_wait3A_65, %dma_wait3A_66] : memref<2x128x128xf32, #tpu.memory_space<vmem>> -> memref<1x128x128xf32, #tpu.memory_space<vmem>>
      %dma_wait3A_68 = tpu.memref_squeeze %dma_wait3A_67 : memref<1x128x128xf32, #tpu.memory_space<vmem>> -> memref<128x128xf32, #tpu.memory_space<vmem>>
      %dma_wait3A_69 = arith.constant 0 : i32
      %dma_wait3A_70 = tpu.memref_slice %arg7[%add3A_54, %dma_wait3A_69] : memref<40x128xi32, #tpu.memory_space<vmem>> -> memref<1x128xi32, #tpu.memory_space<vmem>>
      %dma_wait3A_71 = tpu.memref_squeeze %dma_wait3A_70 : memref<1x128xi32, #tpu.memory_space<vmem>> -> memref<128xi32, #tpu.memory_space<vmem>>
      %dma_wait3A_72 = arith.constant 0 : i32
      %dma_wait3A_73 = arith.constant 0 : i32
      %dma_wait3A_74 = tpu.memref_slice %arg2[%dma_wait3A_72, %dma_wait3A_73] : memref<10240x128xf32, #tpu.memory_space<hbm>> -> memref<10240x128xf32, #tpu.memory_space<hbm>>
      tpu.wait_indirect_dma semaphore(%arg12 : memref<!tpu.dma_semaphore, #tpu.memory_space<semaphore_mem>>) src(%dma_wait3A_74 : memref<10240x128xf32, #tpu.memory_space<hbm>>) dst(%dma_wait3A_68 : memref<128x128xf32, #tpu.memory_space<vmem>>)
      %scan3A_75 = arith.constant 0 : i32
      %scan3A_76 = arith.constant 0 : i32
      %scan3A_77 = arith.addi %scan3A_75, %scan3A_76 : i32
      %scan3A_78 = arith.constant 0 : i32
      %dma_start3A_79 = arith.constant 0 : i32
      %dma_start3A_80 = arith.constant 0 : i32
      %dma_start3A_81 = tpu.memref_slice %arg10[%rem3A_55, %dma_start3A_79, %dma_start3A_80] : memref<2x128x128xf32, #tpu.memory_space<vmem>> -> memref<1x128x128xf32, #tpu.memory_space<vmem>>
      %dma_start3A_82 = tpu.memref_squeeze %dma_start3A_81 : memref<1x128x128xf32, #tpu.memory_space<vmem>> -> memref<128x128xf32, #tpu.memory_space<vmem>>
      %dma_start3A_83 = arith.constant 0 : i32
      %dma_start3A_84 = tpu.memref_slice %arg8[%add3A_54, %dma_start3A_83] : memref<40x128xi32, #tpu.memory_space<vmem>> -> memref<1x128xi32, #tpu.memory_space<vmem>>
      %dma_start3A_85 = tpu.memref_squeeze %dma_start3A_84 : memref<1x128xi32, #tpu.memory_space<vmem>> -> memref<128xi32, #tpu.memory_space<vmem>>
      %dma_start3A_86 = arith.constant 0 : i32
      %dma_start3A_87 = arith.constant 0 : i32
      %dma_start3A_88 = tpu.memref_slice %arg11[%dma_start3A_86, %dma_start3A_87] : memref<10240x128xf32, #tpu.memory_space<vmem_shared>> -> memref<10240x128xf32, #tpu.memory_space<vmem_shared>>
      tpu.enqueue_indirect_dma source(%dma_start3A_82 : memref<128x128xf32, #tpu.memory_space<vmem>>) target(%dma_start3A_88 : memref<10240x128xf32, #tpu.memory_space<vmem_shared>>) offsets(%dma_start3A_85 : memref<128xi32, #tpu.memory_space<vmem>>) semaphore(%arg13 : memref<!tpu.dma_semaphore, #tpu.memory_space<semaphore_mem>>) {add = true}
    }
    %scan3A_37 = arith.constant 40 : i32
    %dma_wait3A = arith.constant 0 : i32
    %dma_wait3A_38 = arith.constant 39 : i32
    %dma_wait3A_39 = arith.constant 0 : i32
    %dma_wait3A_40 = arith.constant 0 : i32
    %dma_wait3A_41 = tpu.memref_slice %arg10[%dma_wait3A, %dma_wait3A_39, %dma_wait3A_40] : memref<2x128x128xf32, #tpu.memory_space<vmem>> -> memref<1x128x128xf32, #tpu.memory_space<vmem>>
    %dma_wait3A_42 = tpu.memref_squeeze %dma_wait3A_41 : memref<1x128x128xf32, #tpu.memory_space<vmem>> -> memref<128x128xf32, #tpu.memory_space<vmem>>
    %dma_wait3A_43 = arith.constant 0 : i32
    %dma_wait3A_44 = tpu.memref_slice %arg8[%dma_wait3A_38, %dma_wait3A_43] : memref<40x128xi32, #tpu.memory_space<vmem>> -> memref<1x128xi32, #tpu.memory_space<vmem>>
    %dma_wait3A_45 = tpu.memref_squeeze %dma_wait3A_44 : memref<1x128xi32, #tpu.memory_space<vmem>> -> memref<128xi32, #tpu.memory_space<vmem>>
    %dma_wait3A_46 = arith.constant 0 : i32
    %dma_wait3A_47 = arith.constant 0 : i32
    %dma_wait3A_48 = tpu.memref_slice %arg11[%dma_wait3A_46, %dma_wait3A_47] : memref<10240x128xf32, #tpu.memory_space<vmem_shared>> -> memref<10240x128xf32, #tpu.memory_space<vmem_shared>>
    tpu.wait_indirect_dma semaphore(%arg13 : memref<!tpu.dma_semaphore, #tpu.memory_space<semaphore_mem>>) src(%dma_wait3A_42 : memref<128x128xf32, #tpu.memory_space<vmem>>) dst(%dma_wait3A_48 : memref<10240x128xf32, #tpu.memory_space<vmem_shared>>)
    %barrier3A_49 = arith.constant 0 : index
    tpu.barrier barrier_id(%barrier3A_49)
    "tpu.region"() ({
      %run_scoped3A_50 = tpu.sem_alloc : memref<!tpu.dma_semaphore, #tpu.memory_space<semaphore_mem>>
      %dma_start3A_51 = arith.constant 0 : i32
      %dma_start3A_52 = tpu.memref_slice %arg6[%arg0, %mul3A_7, %dma_start3A_51] : memref<2x10240x128xf32, #tpu.memory_space<hbm>> -> memref<1x640x128xf32, #tpu.memory_space<hbm>>
      %dma_start3A_53 = tpu.memref_squeeze %dma_start3A_52 : memref<1x640x128xf32, #tpu.memory_space<hbm>> -> memref<640x128xf32, #tpu.memory_space<hbm>>
      %dma_start3A_54 = arith.constant 0 : i32
      %dma_start3A_55 = tpu.memref_slice %arg11[%mul3A_7, %dma_start3A_54] : memref<10240x128xf32, #tpu.memory_space<vmem_shared>> -> memref<640x128xf32, #tpu.memory_space<vmem_shared>>
      tpu.enqueue_dma source(%dma_start3A_55 : memref<640x128xf32, #tpu.memory_space<vmem_shared>>) target(%dma_start3A_53 : memref<640x128xf32, #tpu.memory_space<hbm>>) target_semaphore(%run_scoped3A_50 : memref<!tpu.dma_semaphore, #tpu.memory_space<semaphore_mem>>)
      %dma_wait3A_56 = arith.constant 0 : i32
      %dma_wait3A_57 = tpu.memref_slice %arg6[%arg0, %mul3A_7, %dma_wait3A_56] : memref<2x10240x128xf32, #tpu.memory_space<hbm>> -> memref<1x640x128xf32, #tpu.memory_space<hbm>>
      %dma_wait3A_58 = tpu.memref_squeeze %dma_wait3A_57 : memref<1x640x128xf32, #tpu.memory_space<hbm>> -> memref<640x128xf32, #tpu.memory_space<hbm>>
      %dma_wait3A_59 = arith.constant 0 : i32
      %dma_wait3A_60 = tpu.memref_slice %arg11[%mul3A_7, %dma_wait3A_59] : memref<10240x128xf32, #tpu.memory_space<vmem_shared>> -> memref<640x128xf32, #tpu.memory_space<vmem_shared>>
      tpu.wait_dma2 semaphore(%run_scoped3A_50 : memref<!tpu.dma_semaphore, #tpu.memory_space<semaphore_mem>>) src(%dma_wait3A_60 : memref<640x128xf32, #tpu.memory_space<vmem_shared>>) dst(%dma_wait3A_58 : memref<640x128xf32, #tpu.memory_space<hbm>>)
      tpu.yield
    }) : () -> ()
    return
  }
}

module attributes {stable_mosaic.version = 14 : i64} {
  func.func @_encoder_body(%arg0: i32, %arg1: memref<1024x128xf32, #tpu.memory_space<vmem>>, %arg2: memref<128x128xf32, #tpu.memory_space<vmem>>, %arg3: memref<1x128xf32, #tpu.memory_space<vmem>>, %arg4: memref<1024x128xf32, #tpu.memory_space<vmem>>) attributes {dimension_semantics = [#tpu.dimension_semantics<arbitrary>], iteration_bounds = array<i64: 10>, scalar_prefetch = 0 : i64, scratch_operands = 0 : i64, tpu.core_type = #tpu.core_type<tc>, window_params = [{transform_indices = @transform_0, window_bounds = array<i64: 1024, 128>}, {pipeline_mode = #tpu.pipeline_mode<synchronous>, transform_indices = @transform_1, window_bounds = array<i64: 128, 128>}, {pipeline_mode = #tpu.pipeline_mode<synchronous>, transform_indices = @transform_2, window_bounds = array<i64: 1, 128>}, {transform_indices = @transform_3, window_bounds = array<i64: 1024, 128>}]} {
    %get3A = arith.constant 0 : index
    %get3A_0 = arith.constant 0 : index
    %get3A_1 = vector.load %arg1[%get3A, %get3A_0] : memref<1024x128xf32, #tpu.memory_space<vmem>>, vector<1024x128xf32>
    %get3A_2 = arith.constant 0 : index
    %get3A_3 = arith.constant 0 : index
    %get3A_4 = vector.load %arg2[%get3A_2, %get3A_3] : memref<128x128xf32, #tpu.memory_space<vmem>>, vector<128x128xf32>
    %dot_general3A = arith.constant dense<0.000000e+00> : vector<1024x128xf32>
    %dot_general3A_5 = tpu.matmul %get3A_1, %get3A_4, %dot_general3A {dimension_numbers = #tpu.dot_dimension_numbers<[1], [1], [0], [0], [0, 0, 1, 0], [], []>, transpose_lhs_hint = false} : vector<1024x128xf32>, vector<128x128xf32>, vector<1024x128xf32> -> vector<1024x128xf32>
    %get3A_6 = arith.constant 0 : index
    %get3A_7 = arith.constant 0 : index
    %get3A_8 = vector.load %arg3[%get3A_6, %get3A_7] : memref<1x128xf32, #tpu.memory_space<vmem>>, vector<1x128xf32>
    %add3A = vector.broadcast %get3A_8 : vector<1x128xf32> to vector<1024x128xf32>
    %add3A_9 = arith.addf %dot_general3A_5, %add3A : vector<1024x128xf32>
    %swap3A = arith.constant 0 : index
    %swap3A_10 = arith.constant 0 : index
    %swap3A_11 = vector.load %arg4[%swap3A, %swap3A_10] : memref<1024x128xf32, #tpu.memory_space<vmem>>, vector<1024x128xf32>
    tpu.vector_store %arg4[%swap3A, %swap3A_10], %add3A_9 {strides = array<i32>} : memref<1024x128xf32, #tpu.memory_space<vmem>>, vector<1024x128xf32>,
    return
  }
  func.func @transform_0(%arg0: i32) -> (i32, i32) {
    %c0_i32 = arith.constant 0 : i32
    %c0_i32_0 = arith.constant 0 : i32
    return %arg0, %c0_i32 : i32, i32
  }
  func.func @transform_1(%arg0: i32) -> (i32, i32) {
    %c0_i32 = arith.constant 0 : i32
    %c0_i32_0 = arith.constant 0 : i32
    %c0_i32_1 = arith.constant 0 : i32
    return %c0_i32, %c0_i32_0 : i32, i32
  }
  func.func @transform_2(%arg0: i32) -> (i32, i32) {
    %c0_i32 = arith.constant 0 : i32
    %c0_i32_0 = arith.constant 0 : i32
    %c0_i32_1 = arith.constant 0 : i32
    return %c0_i32, %c0_i32_0 : i32, i32
  }
  func.func @transform_3(%arg0: i32) -> (i32, i32) {
    %c0_i32 = arith.constant 0 : i32
    %c0_i32_0 = arith.constant 0 : i32
    return %arg0, %c0_i32 : i32, i32
  }
}

module attributes {stable_mosaic.version = 14 : i64} {
  func.func @_combine_body(%arg0: i32, %arg1: memref<2x1024x128xf32, #tpu.memory_space<vmem>>, %arg2: memref<1024x128xf32, #tpu.memory_space<vmem>>, %arg3: memref<128x128xf32, #tpu.memory_space<vmem>>, %arg4: memref<1024x128xf32, #tpu.memory_space<vmem>>, %arg5: memref<1024x128xf32, #tpu.memory_space<vmem>>) attributes {dimension_semantics = [#tpu.dimension_semantics<arbitrary>], iteration_bounds = array<i64: 10>, scalar_prefetch = 0 : i64, scratch_operands = 0 : i64, tpu.core_type = #tpu.core_type<tc>, window_params = [{transform_indices = @transform_0, window_bounds = array<i64: 2, 1024, 128>}, {transform_indices = @transform_1, window_bounds = array<i64: 1024, 128>}, {pipeline_mode = #tpu.pipeline_mode<synchronous>, transform_indices = @transform_2, window_bounds = array<i64: 128, 128>}, {transform_indices = @transform_3, window_bounds = array<i64: 1024, 128>}, {transform_indices = @transform_4, window_bounds = array<i64: 1024, 128>}]} {
    %get3A = arith.constant 0 : index
    %get3A_0 = arith.constant 0 : index
    %get3A_1 = arith.constant 0 : index
    %get3A_2 = vector.load %arg1[%get3A, %get3A_0, %get3A_1] : memref<2x1024x128xf32, #tpu.memory_space<vmem>>, vector<1x1024x128xf32>
    %get3A_3 = vector.shape_cast %get3A_2 : vector<1x1024x128xf32> to vector<1024x128xf32>
    %get3A_4 = arith.constant 1 : index
    %get3A_5 = arith.constant 0 : index
    %get3A_6 = arith.constant 0 : index
    %get3A_7 = vector.load %arg1[%get3A_4, %get3A_5, %get3A_6] : memref<2x1024x128xf32, #tpu.memory_space<vmem>>, vector<1x1024x128xf32>
    %get3A_8 = vector.shape_cast %get3A_7 : vector<1x1024x128xf32> to vector<1024x128xf32>
    %add3A = arith.addf %get3A_3, %get3A_8 : vector<1024x128xf32>
    %get3A_9 = arith.constant 0 : index
    %get3A_10 = arith.constant 0 : index
    %get3A_11 = vector.load %arg3[%get3A_9, %get3A_10] : memref<128x128xf32, #tpu.memory_space<vmem>>, vector<128x128xf32>
    %dot_general3A = arith.constant dense<0.000000e+00> : vector<1024x128xf32>
    %dot_general3A_12 = tpu.matmul %add3A, %get3A_11, %dot_general3A {dimension_numbers = #tpu.dot_dimension_numbers<[1], [1], [0], [0], [0, 0, 1, 0], [], []>, transpose_lhs_hint = false} : vector<1024x128xf32>, vector<128x128xf32>, vector<1024x128xf32> -> vector<1024x128xf32>
    %mul3A = arith.constant 5.000000e-01 : f32
    %mul3A_13 = vector.broadcast %mul3A : f32 to vector<1024x128xf32>
    %mul3A_14 = arith.mulf %mul3A_13, %dot_general3A_12 : vector<1024x128xf32>
    %swap3A = arith.constant 0 : index
    %swap3A_15 = arith.constant 0 : index
    %swap3A_16 = vector.load %arg4[%swap3A, %swap3A_15] : memref<1024x128xf32, #tpu.memory_space<vmem>>, vector<1024x128xf32>
    tpu.vector_store %arg4[%swap3A, %swap3A_15], %mul3A_14 {strides = array<i32>} : memref<1024x128xf32, #tpu.memory_space<vmem>>, vector<1024x128xf32>,
    %get3A_17 = arith.constant 0 : index
    %get3A_18 = arith.constant 0 : index
    %get3A_19 = vector.load %arg2[%get3A_17, %get3A_18] : memref<1024x128xf32, #tpu.memory_space<vmem>>, vector<1024x128xf32>
    %add3A_20 = arith.addf %get3A_19, %mul3A_14 : vector<1024x128xf32>
    %swap3A_21 = arith.constant 0 : index
    %swap3A_22 = arith.constant 0 : index
    %swap3A_23 = vector.load %arg5[%swap3A_21, %swap3A_22] : memref<1024x128xf32, #tpu.memory_space<vmem>>, vector<1024x128xf32>
    tpu.vector_store %arg5[%swap3A_21, %swap3A_22], %add3A_20 {strides = array<i32>} : memref<1024x128xf32, #tpu.memory_space<vmem>>, vector<1024x128xf32>,
    return
  }
  func.func @transform_0(%arg0: i32) -> (i32, i32, i32) {
    %c0_i32 = arith.constant 0 : i32
    %c0_i32_0 = arith.constant 0 : i32
    %c0_i32_1 = arith.constant 0 : i32
    return %c0_i32, %arg0, %c0_i32_0 : i32, i32, i32
  }
  func.func @transform_1(%arg0: i32) -> (i32, i32) {
    %c0_i32 = arith.constant 0 : i32
    %c0_i32_0 = arith.constant 0 : i32
    return %arg0, %c0_i32 : i32, i32
  }
  func.func @transform_2(%arg0: i32) -> (i32, i32) {
    %c0_i32 = arith.constant 0 : i32
    %c0_i32_0 = arith.constant 0 : i32
    %c0_i32_1 = arith.constant 0 : i32
    return %c0_i32, %c0_i32_0 : i32, i32
  }
  func.func @transform_3(%arg0: i32) -> (i32, i32) {
    %c0_i32 = arith.constant 0 : i32
    %c0_i32_0 = arith.constant 0 : i32
    return %arg0, %c0_i32 : i32, i32
  }
  func.func @transform_4(%arg0: i32) -> (i32, i32) {
    %c0_i32 = arith.constant 0 : i32
    %c0_i32_0 = arith.constant 0 : i32
    return %arg0, %c0_i32 : i32, i32
  }
}

module attributes {stable_mosaic.version = 14 : i64} {
  func.func @_prepost_body(%arg0: i32, %arg1: memref<1024x128xf32, #tpu.memory_space<vmem>>, %arg2: memref<1024x128xf32, #tpu.memory_space<vmem>>, %arg3: memref<1024x128xf32, #tpu.memory_space<vmem>>, %arg4: memref<1024x128xf32, #tpu.memory_space<vmem>>) attributes {dimension_semantics = [#tpu.dimension_semantics<arbitrary>], iteration_bounds = array<i64: 10>, scalar_prefetch = 0 : i64, scratch_operands = 0 : i64, tpu.core_type = #tpu.core_type<tc>, window_params = [{transform_indices = @transform_0, window_bounds = array<i64: 1024, 128>}, {transform_indices = @transform_1, window_bounds = array<i64: 1024, 128>}, {transform_indices = @transform_2, window_bounds = array<i64: 1024, 128>}, {transform_indices = @transform_3, window_bounds = array<i64: 1024, 128>}]} {
    %get3A = arith.constant 0 : index
    %get3A_0 = arith.constant 0 : index
    %get3A_1 = vector.load %arg1[%get3A, %get3A_0] : memref<1024x128xf32, #tpu.memory_space<vmem>>, vector<1024x128xf32>
    %get3A_2 = arith.constant 0 : index
    %get3A_3 = arith.constant 0 : index
    %get3A_4 = vector.load %arg2[%get3A_2, %get3A_3] : memref<1024x128xf32, #tpu.memory_space<vmem>>, vector<1024x128xf32>
    %sub3A = arith.subf %get3A_1, %get3A_4 : vector<1024x128xf32>
    %get3A_5 = arith.constant 0 : index
    %get3A_6 = arith.constant 0 : index
    %get3A_7 = vector.load %arg3[%get3A_5, %get3A_6] : memref<1024x128xf32, #tpu.memory_space<vmem>>, vector<1024x128xf32>
    %add3A = arith.addf %sub3A, %get3A_7 : vector<1024x128xf32>
    %max3A = arith.constant 0.000000e+00 : f32
    %max3A_8 = vector.broadcast %max3A : f32 to vector<1024x128xf32>
    %max3A_9 = arith.maximumf %add3A, %max3A_8 : vector<1024x128xf32>
    %mul3A = arith.constant 2.000000e+00 : f32
    %mul3A_10 = vector.broadcast %mul3A : f32 to vector<1024x128xf32>
    %mul3A_11 = arith.mulf %mul3A_10, %max3A_9 : vector<1024x128xf32>
    %sub3A_12 = arith.subf %mul3A_11, %add3A : vector<1024x128xf32>
    %get3A_13 = arith.constant 0 : index
    %get3A_14 = arith.constant 0 : index
    %get3A_15 = vector.load %arg3[%get3A_13, %get3A_14] : memref<1024x128xf32, #tpu.memory_space<vmem>>, vector<1024x128xf32>
    %add3A_16 = arith.addf %sub3A_12, %get3A_15 : vector<1024x128xf32>
    %swap3A = arith.constant 0 : index
    %swap3A_17 = arith.constant 0 : index
    %swap3A_18 = vector.load %arg4[%swap3A, %swap3A_17] : memref<1024x128xf32, #tpu.memory_space<vmem>>, vector<1024x128xf32>
    tpu.vector_store %arg4[%swap3A, %swap3A_17], %add3A_16 {strides = array<i32>} : memref<1024x128xf32, #tpu.memory_space<vmem>>, vector<1024x128xf32>,
    return
  }
  func.func @transform_0(%arg0: i32) -> (i32, i32) {
    %c0_i32 = arith.constant 0 : i32
    %c0_i32_0 = arith.constant 0 : i32
    return %arg0, %c0_i32 : i32, i32
  }
  func.func @transform_1(%arg0: i32) -> (i32, i32) {
    %c0_i32 = arith.constant 0 : i32
    %c0_i32_0 = arith.constant 0 : i32
    return %arg0, %c0_i32 : i32, i32
  }
  func.func @transform_2(%arg0: i32) -> (i32, i32) {
    %c0_i32 = arith.constant 0 : i32
    %c0_i32_0 = arith.constant 0 : i32
    return %arg0, %c0_i32 : i32, i32
  }
  func.func @transform_3(%arg0: i32) -> (i32, i32) {
    %c0_i32 = arith.constant 0 : i32
    %c0_i32_0 = arith.constant 0 : i32
    return %arg0, %c0_i32 : i32, i32
  }
}

module attributes {stable_mosaic.version = 14 : i64} {
  func.func @_final_body(%arg0: i32, %arg1: memref<1024x128xf32, #tpu.memory_space<vmem>>, %arg2: memref<1024x128xf32, #tpu.memory_space<vmem>>, %arg3: memref<1024x128xf32, #tpu.memory_space<vmem>>, %arg4: memref<1024x64xf32, #tpu.memory_space<vmem>>, %arg5: memref<16x128xf32, #tpu.memory_space<vmem>>, %arg6: memref<64x16xf32, #tpu.memory_space<vmem>>, %arg7: memref<64x128xf32, #tpu.memory_space<vmem>>) attributes {dimension_semantics = [#tpu.dimension_semantics<arbitrary>], iteration_bounds = array<i64: 10>, scalar_prefetch = 0 : i64, scratch_operands = 1 : i64, tpu.core_type = #tpu.core_type<tc>, window_params = [{transform_indices = @transform_0, window_bounds = array<i64: 1024, 128>}, {transform_indices = @transform_1, window_bounds = array<i64: 1024, 128>}, {transform_indices = @transform_2, window_bounds = array<i64: 1024, 128>}, {transform_indices = @transform_3, window_bounds = array<i64: 1024, 64>}, {pipeline_mode = #tpu.pipeline_mode<synchronous>, transform_indices = @transform_4, window_bounds = array<i64: 16, 128>}, {pipeline_mode = #tpu.pipeline_mode<synchronous>, transform_indices = @transform_5, window_bounds = array<i64: 64, 16>}]} {
    %eq3A = arith.constant 0 : i32
    %eq3A_0 = arith.cmpi eq, %arg0, %eq3A : i32
    %convert_element_type3A = arith.extui %eq3A_0 : i1 to i32
    %cond3A = arith.constant 0 : i32
    %cond3A_1 = arith.cmpi ne, %convert_element_type3A, %cond3A : i32
    scf.if %cond3A_1 {
      %broadcast_in_dim3A = arith.constant 0.000000e+00 : f32
      %broadcast_in_dim3A_27 = vector.broadcast %broadcast_in_dim3A : f32 to vector<64x128xf32>
      %swap3A_28 = arith.constant 0 : index
      %swap3A_29 = arith.constant 0 : index
      %swap3A_30 = vector.load %arg7[%swap3A_28, %swap3A_29] : memref<64x128xf32, #tpu.memory_space<vmem>>, vector<64x128xf32>
      tpu.vector_store %arg7[%swap3A_28, %swap3A_29], %broadcast_in_dim3A_27 {strides = array<i32>} : memref<64x128xf32, #tpu.memory_space<vmem>>, vector<64x128xf32>,
    } else {
    }
    %get3A = arith.constant 0 : index
    %get3A_2 = arith.constant 0 : index
    %get3A_3 = vector.load %arg1[%get3A, %get3A_2] : memref<1024x128xf32, #tpu.memory_space<vmem>>, vector<1024x128xf32>
    %get3A_4 = arith.constant 0 : index
    %get3A_5 = arith.constant 0 : index
    %get3A_6 = vector.load %arg2[%get3A_4, %get3A_5] : memref<1024x128xf32, #tpu.memory_space<vmem>>, vector<1024x128xf32>
    %sub3A = arith.subf %get3A_3, %get3A_6 : vector<1024x128xf32>
    %get3A_7 = arith.constant 0 : index
    %get3A_8 = arith.constant 0 : index
    %get3A_9 = vector.load %arg3[%get3A_7, %get3A_8] : memref<1024x128xf32, #tpu.memory_space<vmem>>, vector<1024x128xf32>
    %add3A = arith.addf %sub3A, %get3A_9 : vector<1024x128xf32>
    %max3A = arith.constant 0.000000e+00 : f32
    %max3A_10 = vector.broadcast %max3A : f32 to vector<1024x128xf32>
    %max3A_11 = arith.maximumf %add3A, %max3A_10 : vector<1024x128xf32>
    %get3A_12 = arith.constant 0 : index
    %get3A_13 = arith.constant 0 : index
    %get3A_14 = vector.load %arg7[%get3A_12, %get3A_13] : memref<64x128xf32, #tpu.memory_space<vmem>>, vector<64x128xf32>
    %get3A_15 = arith.constant 0 : index
    %get3A_16 = arith.constant 0 : index
    %get3A_17 = vector.load %arg4[%get3A_15, %get3A_16] : memref<1024x64xf32, #tpu.memory_space<vmem>>, vector<1024x64xf32>
    %dot_general3A = arith.constant dense<0.000000e+00> : vector<64x128xf32>
    %dot_general3A_18 = tpu.matmul %get3A_17, %max3A_11, %dot_general3A {dimension_numbers = #tpu.dot_dimension_numbers<[0], [0], [1], [1], [0, 1, 1, 1], [], []>, transpose_lhs_hint = false} : vector<1024x64xf32>, vector<1024x128xf32>, vector<64x128xf32> -> vector<64x128xf32>
    %add3A_19 = arith.addf %get3A_14, %dot_general3A_18 : vector<64x128xf32>
    %swap3A = arith.constant 0 : index
    %swap3A_20 = arith.constant 0 : index
    %swap3A_21 = vector.load %arg7[%swap3A, %swap3A_20] : memref<64x128xf32, #tpu.memory_space<vmem>>, vector<64x128xf32>
    tpu.vector_store %arg7[%swap3A, %swap3A_20], %add3A_19 {strides = array<i32>} : memref<64x128xf32, #tpu.memory_space<vmem>>, vector<64x128xf32>,
    %eq3A_22 = arith.constant 9 : i32
    %eq3A_23 = arith.cmpi eq, %arg0, %eq3A_22 : i32
    %convert_element_type3A_24 = arith.extui %eq3A_23 : i1 to i32
    %cond3A_25 = arith.constant 0 : i32
    %cond3A_26 = arith.cmpi ne, %convert_element_type3A_24, %cond3A_25 : i32
    scf.if %cond3A_26 {
      %get3A_27 = arith.constant 0 : index
      %get3A_28 = arith.constant 0 : index
      %get3A_29 = vector.load %arg7[%get3A_27, %get3A_28] : memref<64x128xf32, #tpu.memory_space<vmem>>, vector<64x128xf32>
      %get3A_30 = arith.constant 0 : index
      %get3A_31 = arith.constant 0 : index
      %get3A_32 = vector.load %arg5[%get3A_30, %get3A_31] : memref<16x128xf32, #tpu.memory_space<vmem>>, vector<16x128xf32>
      %dot_general3A_33 = arith.constant dense<0.000000e+00> : vector<64x16xf32>
      %dot_general3A_34 = tpu.matmul %get3A_29, %get3A_32, %dot_general3A_33 {dimension_numbers = #tpu.dot_dimension_numbers<[1], [1], [0], [0], [0, 0, 1, 0], [], []>, transpose_lhs_hint = false} : vector<64x128xf32>, vector<16x128xf32>, vector<64x16xf32> -> vector<64x16xf32>
      %swap3A_35 = arith.constant 0 : index
      %swap3A_36 = arith.constant 0 : index
      %swap3A_37 = vector.load %arg6[%swap3A_35, %swap3A_36] : memref<64x16xf32, #tpu.memory_space<vmem>>, vector<64x16xf32>
      tpu.vector_store %arg6[%swap3A_35, %swap3A_36], %dot_general3A_34 {strides = array<i32>} : memref<64x16xf32, #tpu.memory_space<vmem>>, vector<64x16xf32>,
    } else {
    }
    return
  }
  func.func @transform_0(%arg0: i32) -> (i32, i32) {
    %c0_i32 = arith.constant 0 : i32
    %c0_i32_0 = arith.constant 0 : i32
    return %arg0, %c0_i32 : i32, i32
  }
  func.func @transform_1(%arg0: i32) -> (i32, i32) {
    %c0_i32 = arith.constant 0 : i32
    %c0_i32_0 = arith.constant 0 : i32
    return %arg0, %c0_i32 : i32, i32
  }
  func.func @transform_2(%arg0: i32) -> (i32, i32) {
    %c0_i32 = arith.constant 0 : i32
    %c0_i32_0 = arith.constant 0 : i32
    return %arg0, %c0_i32 : i32, i32
  }
  func.func @transform_3(%arg0: i32) -> (i32, i32) {
    %c0_i32 = arith.constant 0 : i32
    %c0_i32_0 = arith.constant 0 : i32
    return %arg0, %c0_i32 : i32, i32
  }
  func.func @transform_4(%arg0: i32) -> (i32, i32) {
    %c0_i32 = arith.constant 0 : i32
    %c0_i32_0 = arith.constant 0 : i32
    %c0_i32_1 = arith.constant 0 : i32
    return %c0_i32, %c0_i32_0 : i32, i32
  }
  func.func @transform_5(%arg0: i32) -> (i32, i32) {
    %c0_i32 = arith.constant 0 : i32
    %c0_i32_0 = arith.constant 0 : i32
    %c0_i32_1 = arith.constant 0 : i32
    return %c0_i32, %c0_i32_0 : i32, i32
  }
}

</mosaic_0001>

<sc_bundles>
// kernel: closed_call.21.cloned.1.call-start
scs
__scs_entry_jumppad:
0x0: {  	(pc) =	sbr.rel $0x88, $3  }
0x1: {  	(tag) =	ssettag $0x0;
	lr =	simm.s32 $0x1  }
0x2: {  	[smem:$0x3F98] =	sst lr;
	_ =	strace $0xD0000000  }
0x3: {  	_ = 	snop  }
0x4: {  	_ = 	snop  }
0x5: {  	_ = 	snop  }
0x6: {  	_ = 	snop  }
0x7: {  	_ = 	snop  }
__scs_overlays_trampoline_lowered:
0x8: {  	[smem:$0x3FA7] =	sst s0  }
0x9: {  	[smem:$0x3FA8] =	sst s1  }
0xa: {  	[smem:$0x3FA9] =	sst s2  }
0xb: {  	[smem:$0x3FAA] =	sst s3  }
0xc: {  	[smem:$0x3FAB] =	sst s4  }
0xd: {  	[smem:$0x3FAC] =	sst s5  }
0xe: {  	[smem:$0x3FAD] =	sst s6  }
0xf: {  	[smem:$0x3FAE] =	sst s7  }
0x10: {  	[smem:$0x3FAF] =	sst s8  }
0x11: {  	[smem:$0x3FB0] =	sst s9;
	s0 =	simm.s32 @!p0 $0x0  }
0x12: {  	s1 =	sld [smem:$0x3F96];
	s0 =	simm.s32 @p0 $0x1  }
0x13: {  	[smem:$0x3FB1] =	sst s0;
	s0 =	simm.s32 @!p1 $0x0  }
0x14: {  	s2 =	sld [smem:$0x3F95];
	s0 =	simm.s32 @p1 $0x1  }
0x15: {  	[smem:$0x3FB2] =	sst s0;
	s0 =	simm.s32 @!p2 $0x0  }
0x16: {  	s3 =	sld [smem:$0x3FDB];
	s0 =	simm.s32 @p2 $0x1  }
0x17: {  	s4 =	simm.s32 $0x1BF5;
	[smem:$0x3FB4] =	sst s0  }
0x18: {  	s0 =	sld [smem:$0x3F97];
	_ =	swait.ge [sflag:s4], $0x0  }
0x19: {  	s7 =	sld [smem:$0x3F98]  }
0x1a: {  	s8 =	sadd.s32 $0xFFFFE003, lr  }
0x1b: {  	s9 =	sadd.s32 $0xFFFFFEF7, lr;
	s5 =	simm.s32 $0xFFFFFFFF;
	p2 =	slt.u32 s8, $0xFFFFF086  }
0x1c: {  	p1 =	slt.u32 s9, $0xF7A;
	s5 =	simm.s32 @!p2 $0x0  }
0x1d: {  	s5 =	simm.s32 @p1 $0x1;
	p0 =	seq.s32 s7, s2  }
0x1e: {  	s7 =	smul.u32 @!p0 $0xF7A, s2;
	p2 =	seq.s32 @!p0 s5, $0x0  }
0x1f: {  	s9 =	smul.u32 $0xF7A, s1;
	s8 =	simm.s32 @!p0 $0x1BF5;
	p2 =	por !p2, p0  }
0x20: {  	[sflag:s8] =	ssyncset.s32 @!p0 $0xFFFFF086;
	s6 =	sadd.s32 @!p0 s3, s7;
	s7 =	simm.s32 @!p0 $0x108  }
0x21: {  	s3 =	sadd.s32 s3, s9;
	s6 =	sadd.s32 @!p0 $0x88, s6;
	s7 =	simm.s32 @p2 $0x1082  }
0x22: {  	[simem:s7], [sflag:s8] =	dma.local @!p0 [hbm:s6], $0xF7A  }
0x23: {  	s9 =	sor.u32 $0xD0000000, s2;
	s6 =	simm.s32 $0x108;
	_ =	swait.ge @!p0 [sflag:s8], $0x0  }
0x24: {  	s3 =	sadd.s32 $0x88, s3;
	s6 =	simm.s32 @!p1 $0x1082;
	[sflag:s4] =	ssyncset.s32 $0xFFFFF086  }
0x25: {  	[simem:s6], [sflag:s4] =	dma.local [hbm:s3], $0xF7A  }
0x26: {  	[smem:$0x3F98] =	sst s1;
	(tag) =	ssettag s2;
	_ =	strace s9  }
0x27: {  	s1 =	sld [smem:$0x3FA8]  }
0x28: {  	s2 =	sld [smem:$0x3FA9]  }
0x29: {  	s4 =	sld [smem:$0x3FAB]  }
0x2a: {  	p0 =	seq.s32 s5, $0x0;
	s5 =	sld [smem:$0x3FAC]  }
0x2b: {  	s6 =	sld [smem:$0x3FAD]  }
0x2c: {  	s7 =	sld [smem:$0x3FAE]  }
0x2d: {  	s3 =	simm.s32 $0x108;
	s8 =	sld [smem:$0x3FAF]  }
0x2e: {  	s3 =	simm.s32 @!p0 $0x1082;
	s9 =	sld [smem:$0x3FB0]  }
0x2f: {  	lr =	sadd.s32 s0, s3;
	s0 =	sld [smem:$0x3FA7]  }
0x30: {  	s3 =	sld [smem:$0x3FAA]  }
0x31: {  	[smem:$0x3FB3] =	sst s10  }
0x32: {  	s10 =	sld [smem:$0x3FB1];
	_ =	sdelay $0x3  }
0x33: {  	p0 =	seq.s32 s10, $0x1;
	s10 =	sld [smem:$0x3FB3];
	_ =	sdelay $0x3  }
0x34: {  	[smem:$0x3FB3] =	sst s10  }
0x35: {  	s10 =	sld [smem:$0x3FB2];
	_ =	sdelay $0x3  }
0x36: {  	p1 =	seq.s32 s10, $0x1;
	s10 =	sld [smem:$0x3FB3];
	_ =	sdelay $0x3  }
0x37: {  	[smem:$0x3FB3] =	sst s10  }
0x38: {  	s10 =	sld [smem:$0x3FB4]  }
0x39: {  	_ = 	snop;
	(pc) =	sbr.ind lr, $3  }
0x3a: {  	_ = 	snop  }
0x3b: {  	_ = 	snop  }
0x3c: {  	p2 =	seq.s32 s10, $0x1;
	s10 =	sld [smem:$0x3FB3]  }
0x3d: {  	_ =	shalt  }
0x3e: {  	_ =	shalt  }
0x3f: {  	_ =	shalt  }
0x40: {  	_ =	shalt  }
0x41: {  	_ =	shalt  }
0x42: {  	_ =	shalt  }
0x43: {  	_ =	shalt  }
0x44: {  	_ =	shalt  }
0x45: {  	_ =	shalt  }
0x46: {  	_ =	shalt  }
0x47: {  	_ =	shalt  }
0x48: {  	_ =	shalt  }
0x49: {  	_ =	shalt  }
0x4a: {  	_ =	shalt  }
0x4b: {  	_ =	shalt  }
0x4c: {  	_ =	shalt  }
0x4d: {  	_ =	shalt  }
0x4e: {  	_ =	shalt  }
0x4f: {  	_ =	shalt  }
0x50: {  	_ =	shalt  }
0x51: {  	_ =	shalt  }
0x52: {  	_ =	shalt  }
0x53: {  	_ =	shalt  }
0x54: {  	_ =	shalt  }
0x55: {  	_ =	shalt  }
0x56: {  	_ =	shalt  }
0x57: {  	_ =	shalt  }
0x58: {  	_ =	shalt  }
0x59: {  	_ =	shalt  }
0x5a: {  	_ =	shalt  }
0x5b: {  	_ =	shalt  }
0x5c: {  	_ =	shalt  }
0x5d: {  	_ =	shalt  }
0x5e: {  	_ =	shalt  }
0x5f: {  	_ =	shalt  }
0x60: {  	_ =	shalt  }
0x61: {  	_ =	shalt  }
0x62: {  	_ =	shalt  }
0x63: {  	_ =	shalt  }
0x64: {  	_ =	shalt  }
0x65: {  	_ =	shalt  }
0x66: {  	_ =	shalt  }
0x67: {  	_ =	shalt  }
0x68: {  	_ =	shalt  }
0x69: {  	_ =	shalt  }
0x6a: {  	_ =	shalt  }
0x6b: {  	_ =	shalt  }
0x6c: {  	_ =	shalt  }
0x6d: {  	_ =	shalt  }
0x6e: {  	_ =	shalt  }
0x6f: {  	_ =	shalt  }
0x70: {  	_ =	shalt  }
0x71: {  	_ =	shalt  }
0x72: {  	_ =	shalt  }
0x73: {  	_ =	shalt  }
0x74: {  	_ =	shalt  }
0x75: {  	_ =	shalt  }
0x76: {  	_ =	shalt  }
0x77: {  	_ =	shalt  }
0x78: {  	_ =	shalt  }
0x79: {  	_ =	shalt  }
0x7a: {  	_ =	shalt  }
0x7b: {  	_ =	shalt  }
0x7c: {  	_ =	shalt  }
0x7d: {  	_ =	shalt  }
0x7e: {  	_ =	shalt  }
0x7f: {  	_ =	shalt  }
0x80: {  	_ =	shalt  }
0x81: {  	_ =	shalt  }
0x82: {  	_ =	shalt  }
0x83: {  	_ =	shalt  }
0x84: {  	_ =	shalt  }
0x85: {  	_ =	shalt  }
0x86: {  	_ =	shalt  }
0x87: {  	_ =	shalt  }
.Lfunc_end0:
.L_simem_size_0:
called_computation.2_lowered:
.L_overlay_start_0:
0x88: {  	s2 =	sld [smem:$0x3FD9]  }
0x89: {  	s3 =	sld [smem:$0x3FFE];
	_ =	sdelay $0x1  }
0x8a: {  	s1 =	srdreg.scid  }
0x8b: {  	s0 =	sand.u32 $0x1, s1  }
0x8c: {  	s16 =	sshll.u32 s0, $0xA;
	s2 =	sadd.s32 s3, s2  }
0x8d: {  	s2 =	sadd.s32 s2, s16  }
0x8e: {  	[smem:$0x3FBF] =	sst s2  }
0x8f: {  	_ = 	snop  }
0x90: {  	(tm) =	ssettm $0x1  }
0x91: {  	s17 =	sld [smem:$0x3FFB];
	_ =	sdelay $0x3  }
0x92: {  	_ =	strace s17  }
0x93: {  	s2 =	sld [smem:$0x3FFC];
	_ =	sdelay $0x3  }
0x94: {  	_ =	strace s2  }
0x95: {  	s2 =	sld [smem:$0x3FFD];
	_ =	sdelay $0x3  }
0x96: {  	_ =	strace s2  }
0x97: {  	_ =	strace $0x8FFFFFFF  }
0x98: {  	s18 =	sld [smem:$0x3FDB];
	_ =	sdelay $0x1  }
0x99: {  	s19 =	simm.s32 $_scs_section_size  }
0x9a: {  	s4 =	simm.s32 $_size__tile_overlayer_lowered;
	s5 =	simm.s32 $_tile_overlayer_lowered  }
0x9b: {  	s22 =	simm.s32 $0x1BFF;
	s21 =	sshll.u32 s5, $0x1;
	s2 =	sadd.s32 s19, s18  }
0x9c: {  	s6 =	simm.s32 $0x0;
	s20 =	sshll.u32 s4, $0x1;
	s4 =	sadd.s32 s21, s2  }
0x9d: {  	[timem:s6], [sflag:s22] =	dma.local [hbm:s4], s20  }
0x9e: {  	_ =	swait.ge [sflag:s22], s20  }
0x9f: {  	s3 =	ssub.s32 $0x0, s20;
	[sflag:s22] =	ssyncset.done $0x0  }
0xa0: {  	[sflag:s22] =	ssyncadd.s32 s3;
	_ =	sdelay $0x1  }
0xa1: {  	s23 =	simm.s32 $0x1B8B  }
0xa2: {  	_ =	swait.ge [sflag:s23], $0x1  }
0xa3: {  	[sflag:s23] =	ssyncset.done $0x0  }
0xa4: {  	s25 =	simm.s32 $0x1B8E;
	s24 =	sld [smem:$0x3FFE];
	[sflag:s23] =	ssyncadd.s32 $0xFFFFFFFF  }
0xa5: {  	s26 =	simm.s32 $execute0_lowered;
	[smem:$0x3FD2] =	sst s25  }
0xa6: {  	s4 =	sshll.u32 s26, $0x1;
	_ =	strace $0x80000052;
	[dreg:$0x1] =	wrdreg $0xFFFFFFFF  }
0xa7: {  	s28 =	simm.s32 $_size_execute0_lowered;
	s2 =	sadd.s32 s2, s4;
	[dreg:$0x0] =	wrdreg $0x0  }
0xa8: {  	s4 =	sshll.u32 s28, $0x1;
	[dreg:$0x2] =	wrdreg s2  }
0xa9: {  	[dreg:$0x3] =	wrdreg s4  }
0xaa: {  	[dreg:$0x4] =	wrdreg $0xC0  }
0xab: {  	_ =	task [dreg:s6], $0x5FFFF  }
0xac: {  	[dreg:$0x1] =	wrdreg $0xFFFFFFFF  }
0xad: {  	[dreg:$0x0] =	wrdreg $0x60  }
0xae: {  	[dreg:$0x2] =	wrdreg s24  }
0xaf: {  	[dreg:$0x3] =	wrdreg $0xBC000  }
0xb0: {  	[dreg:$0x4] =	wrdreg $0x9  }
0xb1: {  	_ =	task.clear_ibuf [dreg:s6], $0x5FFFF;
	_ =	strace $0x90000052  }
0xb2: {  	s29 =	simm.s32 $0x9;
	_ =	strace $0x80000054  }
0xb3: {  	_ =	swait.ge [sflag:s29], $0x1  }
0xb4: {  	[sflag:s29] =	ssyncadd.s32 $0xFFFFFFFF  }
0xb5: {  	_ =	strace $0x90000054  }
0xb6: {  	_ =	sfence  }
0xb7: {  	s30 =	sld [smem:$0x0];
	_ =	sdelay $0x2  }
0xb8: {  	s31 =	sshll.u32 s1, $0xD;
	s1 =	sshrl.u32 s1, $0x2  }
0xb9: {  	s3 =	sand.u32 $0x4000, s31;
	s1 =	sadd.s32 s1, s30  }
0xba: {  	s0 =	sor.u32 s3, s0;
	s1 =	sshll.u32 s1, $0x11  }
0xbb: {  	s0 =	sor.u32 s1, s0  }
0xbc: {  	s0 =	sadd.s32 $0x8F2B, s0  }
0xbd: {  	[sflag:s0] =	ssyncadd.remote.s32 $0x1  }
0xbe: {  	_ =	sfence.sel $0xFFFF  }
0xbf: {  	[dreg:$0x0] =	wrdreg $0xFFFFFFFF;
	(pc) =	sbr.abs _section_cstart, $3  }
0xc0: {  	[dreg:$0x1] =	wrdreg $0xFFFFFFFF  }
0xc1: {  	_ =	task.clear_ibuf [dreg:s6], $0x2FFFF;
	_ =	strace $0x9FFFFFFF  }
0xc2: {  	(tm) =	ssettm $0x7FFFFFFF  }
0xc3: {  	_ =	shalt  }
tec
execute0_lowered:
.L_overlay_start_1:
0x0: {  	(tag) =	ssettag $0x1  }
0x1: {  	s5 =	rddreg [dreg:$0x0]  }
0x2: {  	s1 =	rddreg [dreg:$0x1]  }
0x3: {  	s2 =	srdreg.scid;
	s0 =	rddreg [dreg:$0x2]  }
0x4: {  	s3 =	simm.s32 $0x0;
	s15 =	simm.s32 $0x3;
	s16 =	simm.s32 $0x1400  }
0x5: {  	s17 =	simm.s32 $0x2800;
	s18 =	simm.s32 $0x3C00;
	s19 =	simm.s32 $0x80  }
0x6: {  	s20 =	simm.s32 $0x1;
	s21 =	simm.s32 $0x2;
	s6 =	sand.u32 $0x1, s2  }
0x7: {  	s24 =	simm.s32 $0x0;
	s2 =	stileid.u32;
	s7 =	smul.u32 $0x140000, s6  }
0x8: {  	[smem:$0x7FF] =	sst s3;
	s4 =	sshll.u32 s6, $0x4;
	s9 =	smul.u32 $0x14000, s2  }
0x9: {  	_ =	strace $0x80000053;
	s6 =	ssub.s32 $0x2, s6;
	s30 =	smul.u32 $0x50000, s2  }
0xa: {  	s22 =	sshll.u32 s2, $0x6;
	s8 =	sor.u32 s2, s4;
	s4 =	sadd.s32 $0xFD800, s5  }
0xb: {  	s10 =	sshrl.u32 s6, $0x1;
	s22 =	sor.u32 $0x1C03, s22;
	s8 =	smul.u32 $0x280, s8  }
0xc: {  	s7 =	sadd.s32 s9, s7;
	s14 =	ssub.s32 s6, s10;
	s31 =	sshrl.u32 s30, $0x2  }
.Ltmp0:
0xd: {  	s7 =	sshrl.u32 s7, $0x3;
	s14 =	smax.u32 s14, $0x1;
	(pc) =	sbr.rel .LBB2_1-.Ltmp0, $4  }
0xe: {  	s8 =	sadd.s32 s8, s5;
	s13 =	sadd.s32 s7, s5;
	s7 =	sadd.s32 s31, s1  }
0xf: {  	s5 =	sadd.s32 $0xF8800, s8;
	s6 =	sadd.s32 $0x48400, s8;
	s8 =	sadd.s32 $0x52C00, s8  }
0x10: {  	s9 =	sadd.s32 $0x4000, s7;
	s10 =	sadd.s32 $0x8000, s7;
	s11 =	sadd.s32 $0xC000, s7  }
0x11: {  	v0 =	vimm.f32 $0.0e+00;
	s12 =	sadd.s32 $0x10000, s7;
	s13 =	sadd.s32 $0x125800, s13;
	s23 =	sshrl.u32 s7, $0x3  }
.LBB2_7:
0x12: {  	_ =	swait.ge [sflag:s21], $0x4000  }
0x13: {  	s24 =	sadd.s32 $0x1, s24;
	[sflag:s21] =	ssyncset.done $0x0  }
0x14: {  	p0 =	sne.s32 s24, s14;
	[sflag:s21] =	ssyncadd.s32 $0xFFFFC000  }
.Ltmp1:
0x15: {  	[bflag:$0x0] =	sbarrier.arrive $0xFFFF;
	(pc) =	sbr.rel @!p0 .LBB2_8-.Ltmp1, $4  }
0x16: {  	[hbm:s13], [sflag:s22] =	dma.local [spmem:s23], $0x2800  }
0x17: {  	_ =	swait.ge [sflag:s15], $0x2800  }
0x18: {  	[sflag:s15] =	ssyncset.done $0x0  }
0x19: {  	[sflag:s15] =	ssyncadd.s32 $0xFFFFD800  }
.LBB2_1:
0x1a: {  	[tilespmem:s3], [sflag:$0x3] =	stream.linear.gather [hbm4b:s5+s3], $0x1400, $0x38;
	[tilespmem:$0x1FC00] =	vst v63  }
0x1b: {  	_ =	swait.ge [sflag:s15], $0x1400  }
0x1c: {  	[sflag:s15] =	ssyncset.done $0x0  }
0x1d: {  	[sflag:s15] =	ssyncadd.s32 $0xFFFFEC00  }
0x1e: {  	[tilespmem:s16], [sflag:$0x3] =	stream.linear.gather [hbm4b:s6+s3], $0x1400, $0x38;
	[tilespmem:$0x1FC00] =	vst v63  }
0x1f: {  	_ =	swait.ge [sflag:s15], $0x1400  }
0x20: {  	[sflag:s15] =	ssyncset.done $0x0  }
0x21: {  	[sflag:s15] =	ssyncadd.s32 $0xFFFFEC00  }
0x22: {  	[tilespmem:s17], [sflag:$0x3] =	stream.linear.gather [hbm4b:s8+s3], $0x1400, $0x38;
	[tilespmem:$0x1FC00] =	vst v63  }
0x23: {  	_ =	swait.ge [sflag:s15], $0x1400  }
0x24: {  	[sflag:s15] =	ssyncset.done $0x0  }
0x25: {  	s25 =	simm.s32 $0x0;
	s26 =	simm.s32 $0x200;
	[sflag:s15] =	ssyncadd.s32 $0xFFFFEC00  }
.LBB2_2:
0x26: {  	p0 =	sne.s32 s26, $0xFE00;
	[tilespmem:s25+$0x3C70] =	vst v0  }
0x27: {  	[tilespmem:s25+$0x3C00] =	vst v0  }
0x28: {  	[tilespmem:s25+$0x3C10] =	vst v0  }
.Ltmp2:
0x29: {  	[tilespmem:s25+$0x3C20] =	vst v0;
	(pc) =	sbr.rel @p0 .LBB2_2-.Ltmp2, $4  }
0x2a: {  	[tilespmem:s25+$0x3C30] =	vst v0  }
0x2b: {  	[tilespmem:s25+$0x3C40] =	vst v0  }
0x2c: {  	[tilespmem:s25+$0x3C50] =	vst v0  }
0x2d: {  	[tilespmem:s25+$0x3C60] =	vst v0;
	s25 =	sshra.s32 s26, $0x2;
	s26 =	sadd.s32 $0x200, s26  }
0x2e: {  	[tilespmem:s25+$0x3C70] =	vst v0  }
0x2f: {  	[tilespmem:s25+$0x3C00] =	vst v0  }
0x30: {  	[tilespmem:s25+$0x3C10] =	vst v0  }
0x31: {  	[tilespmem:s25+$0x3C20] =	vst v0  }
0x32: {  	[tilespmem:s25+$0x3C30] =	vst v0  }
0x33: {  	[tilespmem:s25+$0x3C40] =	vst v0  }
0x34: {  	[tilespmem:s25+$0x3C50] =	vst v0  }
0x35: {  	[tilespmem:s25+$0x3C60] =	vst v0  }
0x36: {  	[spmem:s7] =	stream.linear.scatter [tilespmem:s18], [sflag:$0x3], $0x4000, $0x38;
	[tilespmem:$0x1FC00] =	vst v63  }
0x37: {  	_ =	swait.ge [sflag:s15], $0x4000  }
0x38: {  	[sflag:s15] =	ssyncset.done $0x0  }
0x39: {  	[sflag:s15] =	ssyncadd.s32 $0xFFFFC000  }
0x3a: {  	[spmem:s9] =	stream.linear.scatter [tilespmem:s18], [sflag:$0x3], $0x4000, $0x38;
	[tilespmem:$0x1FC00] =	vst v63  }
0x3b: {  	_ =	swait.ge [sflag:s15], $0x4000  }
0x3c: {  	[sflag:s15] =	ssyncset.done $0x0  }
0x3d: {  	[sflag:s15] =	ssyncadd.s32 $0xFFFFC000  }
0x3e: {  	[spmem:s10] =	stream.linear.scatter [tilespmem:s18], [sflag:$0x3], $0x4000, $0x38;
	[tilespmem:$0x1FC00] =	vst v63  }
0x3f: {  	_ =	swait.ge [sflag:s15], $0x4000  }
0x40: {  	[sflag:s15] =	ssyncset.done $0x0  }
0x41: {  	[sflag:s15] =	ssyncadd.s32 $0xFFFFC000  }
0x42: {  	[spmem:s11] =	stream.linear.scatter [tilespmem:s18], [sflag:$0x3], $0x4000, $0x38;
	[tilespmem:$0x1FC00] =	vst v63  }
0x43: {  	_ =	swait.ge [sflag:s15], $0x4000  }
0x44: {  	[sflag:s15] =	ssyncset.done $0x0  }
0x45: {  	[sflag:s15] =	ssyncadd.s32 $0xFFFFC000  }
0x46: {  	[spmem:s12] =	stream.linear.scatter [tilespmem:s18], [sflag:$0x3], $0x4000, $0x38;
	[tilespmem:$0x1FC00] =	vst v63  }
.Ltmp3:
0x47: {  	_ =	swait.ge [sflag:s15], $0x4000;
	(pc) =	sbr.rel .LBB2_4-.Ltmp3, $4  }
0x48: {  	[sflag:s15] =	ssyncset.done $0x0  }
0x49: {  	[sflag:s15] =	ssyncadd.s32 $0xFFFFC000  }
0x4a: {  	s25 =	simm.s32 $0x0;
	[bflag:$0x0] =	sbarrier.arrive $0xFFFF  }
0x4b: {  	[tilespmem:s18], [sflag:$0x1] =	stream.indirect.gather [hbm4b:s4+s19], $0x80, s25, s19, $0xb8;
	[tilespmem:$0x1FC00] =	vst v63  }
.LBB2_6:
0x4c: {  	p0 =	slt.u32 s26, $0x28  }
.Ltmp4:
0x4d: {  	_ =	swait.ge [sflag:s20], $0x4000;
	s25 =	sshll.u32 s25, $0x7;
	(pc) =	sbr.rel @!p0 .LBB2_7-.Ltmp4, $4  }
0x4e: {  	s28 =	sshll.u32 s28, $0xE;
	[sflag:s20] =	ssyncset.done $0x0;
	s25 =	sand.u32 $0x3FFFFF80, s25  }
0x4f: {  	s28 =	sor.u32 $0x3C00, s28;
	[sflag:s20] =	ssyncadd.s32 $0xFFFFC000;
	s25 =	sadd.s32 $0x1400, s25  }
0x50: {  	[spmem:s1] =	stream.indirect.scatter.add.f32 [tilespmem:s28], [sflag:$0x2], $0x80, s25, s19, $0xb8;
	[tilespmem:$0x1FC00] =	vst v63  }
0x51: {  	s25 =	smov.u32 s26  }
.LBB2_4:
0x52: {  	p0 =	seq.s32 s25, $0x0  }
0x53: {  	p1 =	seq.s32 @!p0 s25, $0x27  }
0x54: {  	p1 =	por p0, !p1  }
.Ltmp5:
0x55: {  	_ = 	snop;
	(pc) =	sbr.rel @!p1 .LBB2_6-.Ltmp5, $4  }
0x56: {  	s26 =	simm.s32 @!p0 $0x2  }
0x57: {  	_ =	swait.ge @!p0 [sflag:s26], $0x4000  }
0x58: {  	[sflag:s26] =	ssyncset.done @!p0 $0x0  }
0x59: {  	s28 =	sand.u32 $0x1, s25;
	[sflag:s26] =	ssyncadd.s32 @!p0 $0xFFFFC000;
	s26 =	simm.s32 @!p0 $0x28  }
.Ltmp6:
0x5a: {  	s26 =	sadd.s32 @!p0 $0x1, s25;
	(pc) =	sbr.rel .LBB2_6-.Ltmp6, $4  }
0x5b: {  	s26 =	simm.s32 @p0 $0x1  }
0x5c: {  	s29 =	sshll.u32 s28, $0xE;
	s30 =	sshll.u32 s26, $0x7  }
0x5d: {  	s29 =	sxor.u32 $0x7C00, s29;
	s30 =	sand.u32 $0x3FFFFF80, s30  }
0x5e: {  	[tilespmem:s29], [sflag:$0x1] =	stream.indirect.gather [hbm4b:s4+s19], $0x80, s30, s19, $0xb8;
	[tilespmem:$0x1FC00] =	vst v63  }
.LBB2_8:
0x5f: {  	_ =	sfence.sel $0x180000  }
0x60: {  	[bflag:$0x0] =	sbarrier.arrive $0xFFFF  }
0x61: {  	p0 =	sne.s32 s2, $0x0;
	_ =	strace $0x90000053  }
0x62: {  	s0 =	sadd.s32 @!p0 $0x100000, s0;
	[bflag:$0x2] =	sbarrier.arrive $0xFFFF  }
0x63: {  	[sflag:s0] =	ssyncadd.tile.s32 @!p0 $0x1;
	_ =	shalt  }
.Lfunc_end2:
_tile_overlayer_lowered:
.L_overlay_start_2:
0x64: {  	(tag) =	ssettag $0x2  }
0x65: {  	s0 =	rddreg [dreg:$0x0];
	s2 =	stileid.u32  }
0x66: {  	s1 =	rddreg [dreg:$0x1];
	p0 =	sne.s32 s2, $0x0  }
0x67: {  	s3 =	rddreg [dreg:$0x2];
	[bflag:$0x3] =	sbarrier.arrive $0xFFFF;
	s2 =	simm.s32 @!p0 $0x1C03  }
0x68: {  	[timem:s3], [sflag:s2] =	dma.local @!p0 [hbm:s0], s1  }
0x69: {  	s0 =	simm.s32 @!p0 $0x3  }
0x6a: {  	_ =	swait.ge @!p0 [sflag:s0], s1  }
0x6b: {  	s1 =	ssub.s32 @!p0 $0x0, s1;
	[sflag:s0] =	ssyncset.done @!p0 $0x0  }
0x6c: {  	[sflag:s0] =	ssyncadd.s32 @!p0 s1  }
0x6d: {  	[bflag:$0x3] =	sbarrier.arrive $0xFFFF  }
0x6e: {  	_ =	shalt  }

// kernel: scatter_offload_async_start.1
scs
__scs_entry_jumppad:
0x0: {  	(pc) =	sbr.rel $0x88, $3  }
0x1: {  	(tag) =	ssettag $0x0;
	lr =	simm.s32 $0x1  }
0x2: {  	[smem:$0x3F98] =	sst lr;
	_ =	strace $0xD0000000  }
0x3: {  	_ = 	snop  }
0x4: {  	_ = 	snop  }
0x5: {  	_ = 	snop  }
0x6: {  	_ = 	snop  }
0x7: {  	_ = 	snop  }
__scs_overlays_trampoline_lowered:
0x8: {  	[smem:$0x3FA7] =	sst s0  }
0x9: {  	[smem:$0x3FA8] =	sst s1  }
0xa: {  	[smem:$0x3FA9] =	sst s2  }
0xb: {  	[smem:$0x3FAA] =	sst s3  }
0xc: {  	[smem:$0x3FAB] =	sst s4  }
0xd: {  	[smem:$0x3FAC] =	sst s5  }
0xe: {  	[smem:$0x3FAD] =	sst s6  }
0xf: {  	[smem:$0x3FAE] =	sst s7  }
0x10: {  	[smem:$0x3FAF] =	sst s8  }
0x11: {  	[smem:$0x3FB0] =	sst s9;
	s0 =	simm.s32 @!p0 $0x0  }
0x12: {  	s1 =	sld [smem:$0x3F96];
	s0 =	simm.s32 @p0 $0x1  }
0x13: {  	[smem:$0x3FB1] =	sst s0;
	s0 =	simm.s32 @!p1 $0x0  }
0x14: {  	s2 =	sld [smem:$0x3F95];
	s0 =	simm.s32 @p1 $0x1  }
0x15: {  	[smem:$0x3FB2] =	sst s0;
	s0 =	simm.s32 @!p2 $0x0  }
0x16: {  	s3 =	sld [smem:$0x3FDB];
	s0 =	simm.s32 @p2 $0x1  }
0x17: {  	s4 =	simm.s32 $0x1BF5;
	[smem:$0x3FB4] =	sst s0  }
0x18: {  	s0 =	sld [smem:$0x3F97];
	_ =	swait.ge [sflag:s4], $0x0  }
0x19: {  	s7 =	sld [smem:$0x3F98]  }
0x1a: {  	s8 =	sadd.s32 $0xFFFFE003, lr  }
0x1b: {  	s9 =	sadd.s32 $0xFFFFFEF7, lr;
	s5 =	simm.s32 $0xFFFFFFFF;
	p2 =	slt.u32 s8, $0xFFFFF086  }
0x1c: {  	p1 =	slt.u32 s9, $0xF7A;
	s5 =	simm.s32 @!p2 $0x0  }
0x1d: {  	s5 =	simm.s32 @p1 $0x1;
	p0 =	seq.s32 s7, s2  }
0x1e: {  	s7 =	smul.u32 @!p0 $0xF7A, s2;
	p2 =	seq.s32 @!p0 s5, $0x0  }
0x1f: {  	s9 =	smul.u32 $0xF7A, s1;
	s8 =	simm.s32 @!p0 $0x1BF5;
	p2 =	por !p2, p0  }
0x20: {  	[sflag:s8] =	ssyncset.s32 @!p0 $0xFFFFF086;
	s6 =	sadd.s32 @!p0 s3, s7;
	s7 =	simm.s32 @!p0 $0x108  }
0x21: {  	s3 =	sadd.s32 s3, s9;
	s6 =	sadd.s32 @!p0 $0x88, s6;
	s7 =	simm.s32 @p2 $0x1082  }
0x22: {  	[simem:s7], [sflag:s8] =	dma.local @!p0 [hbm:s6], $0xF7A  }
0x23: {  	s9 =	sor.u32 $0xD0000000, s2;
	s6 =	simm.s32 $0x108;
	_ =	swait.ge @!p0 [sflag:s8], $0x0  }
0x24: {  	s3 =	sadd.s32 $0x88, s3;
	s6 =	simm.s32 @!p1 $0x1082;
	[sflag:s4] =	ssyncset.s32 $0xFFFFF086  }
0x25: {  	[simem:s6], [sflag:s4] =	dma.local [hbm:s3], $0xF7A  }
0x26: {  	[smem:$0x3F98] =	sst s1;
	(tag) =	ssettag s2;
	_ =	strace s9  }
0x27: {  	s1 =	sld [smem:$0x3FA8]  }
0x28: {  	s2 =	sld [smem:$0x3FA9]  }
0x29: {  	s4 =	sld [smem:$0x3FAB]  }
0x2a: {  	p0 =	seq.s32 s5, $0x0;
	s5 =	sld [smem:$0x3FAC]  }
0x2b: {  	s6 =	sld [smem:$0x3FAD]  }
0x2c: {  	s7 =	sld [smem:$0x3FAE]  }
0x2d: {  	s3 =	simm.s32 $0x108;
	s8 =	sld [smem:$0x3FAF]  }
0x2e: {  	s3 =	simm.s32 @!p0 $0x1082;
	s9 =	sld [smem:$0x3FB0]  }
0x2f: {  	lr =	sadd.s32 s0, s3;
	s0 =	sld [smem:$0x3FA7]  }
0x30: {  	s3 =	sld [smem:$0x3FAA]  }
0x31: {  	[smem:$0x3FB3] =	sst s10  }
0x32: {  	s10 =	sld [smem:$0x3FB1];
	_ =	sdelay $0x3  }
0x33: {  	p0 =	seq.s32 s10, $0x1;
	s10 =	sld [smem:$0x3FB3];
	_ =	sdelay $0x3  }
0x34: {  	[smem:$0x3FB3] =	sst s10  }
0x35: {  	s10 =	sld [smem:$0x3FB2];
	_ =	sdelay $0x3  }
0x36: {  	p1 =	seq.s32 s10, $0x1;
	s10 =	sld [smem:$0x3FB3];
	_ =	sdelay $0x3  }
0x37: {  	[smem:$0x3FB3] =	sst s10  }
0x38: {  	s10 =	sld [smem:$0x3FB4]  }
0x39: {  	_ = 	snop;
	(pc) =	sbr.ind lr, $3  }
0x3a: {  	_ = 	snop  }
0x3b: {  	_ = 	snop  }
0x3c: {  	p2 =	seq.s32 s10, $0x1;
	s10 =	sld [smem:$0x3FB3]  }
0x3d: {  	_ =	shalt  }
0x3e: {  	_ =	shalt  }
0x3f: {  	_ =	shalt  }
0x40: {  	_ =	shalt  }
0x41: {  	_ =	shalt  }
0x42: {  	_ =	shalt  }
0x43: {  	_ =	shalt  }
0x44: {  	_ =	shalt  }
0x45: {  	_ =	shalt  }
0x46: {  	_ =	shalt  }
0x47: {  	_ =	shalt  }
0x48: {  	_ =	shalt  }
0x49: {  	_ =	shalt  }
0x4a: {  	_ =	shalt  }
0x4b: {  	_ =	shalt  }
0x4c: {  	_ =	shalt  }
0x4d: {  	_ =	shalt  }
0x4e: {  	_ =	shalt  }
0x4f: {  	_ =	shalt  }
0x50: {  	_ =	shalt  }
0x51: {  	_ =	shalt  }
0x52: {  	_ =	shalt  }
0x53: {  	_ =	shalt  }
0x54: {  	_ =	shalt  }
0x55: {  	_ =	shalt  }
0x56: {  	_ =	shalt  }
0x57: {  	_ =	shalt  }
0x58: {  	_ =	shalt  }
0x59: {  	_ =	shalt  }
0x5a: {  	_ =	shalt  }
0x5b: {  	_ =	shalt  }
0x5c: {  	_ =	shalt  }
0x5d: {  	_ =	shalt  }
0x5e: {  	_ =	shalt  }
0x5f: {  	_ =	shalt  }
0x60: {  	_ =	shalt  }
0x61: {  	_ =	shalt  }
0x62: {  	_ =	shalt  }
0x63: {  	_ =	shalt  }
0x64: {  	_ =	shalt  }
0x65: {  	_ =	shalt  }
0x66: {  	_ =	shalt  }
0x67: {  	_ =	shalt  }
0x68: {  	_ =	shalt  }
0x69: {  	_ =	shalt  }
0x6a: {  	_ =	shalt  }
0x6b: {  	_ =	shalt  }
0x6c: {  	_ =	shalt  }
0x6d: {  	_ =	shalt  }
0x6e: {  	_ =	shalt  }
0x6f: {  	_ =	shalt  }
0x70: {  	_ =	shalt  }
0x71: {  	_ =	shalt  }
0x72: {  	_ =	shalt  }
0x73: {  	_ =	shalt  }
0x74: {  	_ =	shalt  }
0x75: {  	_ =	shalt  }
0x76: {  	_ =	shalt  }
0x77: {  	_ =	shalt  }
0x78: {  	_ =	shalt  }
0x79: {  	_ =	shalt  }
0x7a: {  	_ =	shalt  }
0x7b: {  	_ =	shalt  }
0x7c: {  	_ =	shalt  }
0x7d: {  	_ =	shalt  }
0x7e: {  	_ =	shalt  }
0x7f: {  	_ =	shalt  }
0x80: {  	_ =	shalt  }
0x81: {  	_ =	shalt  }
0x82: {  	_ =	shalt  }
0x83: {  	_ =	shalt  }
0x84: {  	_ =	shalt  }
0x85: {  	_ =	shalt  }
0x86: {  	_ =	shalt  }
0x87: {  	_ =	shalt  }
.Lfunc_end0:
.L_simem_size_0:
called_computation.1_lowered:
.L_overlay_start_0:
0x88: {  	s0 =	sld [smem:$0x3FD9]  }
0x89: {  	s1 =	sld [smem:$0x3FFE];
	_ =	sdelay $0x3  }
0x8a: {  	s0 =	sadd.s32 s1, s0  }
0x8b: {  	[smem:$0x3FBF] =	sst s0  }
0x8c: {  	_ = 	snop  }
0x8d: {  	(tm) =	ssettm $0x1  }
0x8e: {  	s14 =	sld [smem:$0x3FFB];
	_ =	sdelay $0x3  }
0x8f: {  	_ =	strace s14  }
0x90: {  	s0 =	sld [smem:$0x3FFC];
	_ =	sdelay $0x3  }
0x91: {  	_ =	strace s0  }
0x92: {  	s0 =	sld [smem:$0x3FFD];
	_ =	sdelay $0x3  }
0x93: {  	_ =	strace s0  }
0x94: {  	_ =	strace $0x8FFFFFFF  }
0x95: {  	s15 =	sld [smem:$0x3FDB];
	_ =	sdelay $0x1  }
0x96: {  	s16 =	simm.s32 $_scs_section_size  }
0x97: {  	s2 =	simm.s32 $_size__tile_overlayer_lowered;
	s3 =	simm.s32 $_tile_overlayer_lowered  }
0x98: {  	s4 =	simm.s32 $0x1BFF;
	s17 =	sshll.u32 s3, $0x1;
	s1 =	sadd.s32 s16, s15  }
0x99: {  	s18 =	simm.s32 $0x0;
	s2 =	sshll.u32 s2, $0x1;
	s3 =	sadd.s32 s17, s1  }
0x9a: {  	[timem:s18], [sflag:s4] =	dma.local [hbm:s3], s2  }
0x9b: {  	_ =	swait.ge [sflag:s4], s2  }
0x9c: {  	s2 =	ssub.s32 $0x0, s2;
	[sflag:s4] =	ssyncset.done $0x0  }
0x9d: {  	[sflag:s4] =	ssyncadd.s32 s2;
	_ =	sdelay $0x1  }
0x9e: {  	s19 =	simm.s32 $0x1B8B  }
0x9f: {  	_ =	swait.ge [sflag:s19], $0x1  }
0xa0: {  	[sflag:s19] =	ssyncset.done $0x0  }
0xa1: {  	s21 =	simm.s32 $0x1B8E;
	s20 =	sld [smem:$0x3FFE];
	[sflag:s19] =	ssyncadd.s32 $0xFFFFFFFF  }
0xa2: {  	s22 =	simm.s32 $execute0_lowered;
	[smem:$0x3FD2] =	sst s21  }
0xa3: {  	s3 =	sshll.u32 s22, $0x1;
	_ =	strace $0x8000004C;
	[dreg:$0x1] =	wrdreg $0xFFFFFFFF  }
0xa4: {  	s23 =	simm.s32 $_size_execute0_lowered;
	s3 =	sadd.s32 s1, s3;
	[dreg:$0x0] =	wrdreg $0x0  }
0xa5: {  	s4 =	sshll.u32 s23, $0x1;
	[dreg:$0x2] =	wrdreg s3  }
0xa6: {  	[dreg:$0x3] =	wrdreg s4  }
0xa7: {  	[dreg:$0x4] =	wrdreg $0xC0  }
0xa8: {  	s24 =	simm.s32 $execute1_lowered;
	_ =	task [dreg:s18], $0x5FFFF  }
0xa9: {  	s3 =	sshll.u32 s24, $0x1;
	[dreg:$0x1] =	wrdreg $0xFFFFFFFF  }
0xaa: {  	s1 =	sadd.s32 s1, s3;
	[dreg:$0x0] =	wrdreg $0x60  }
0xab: {  	[dreg:$0x2] =	wrdreg s1  }
0xac: {  	[dreg:$0x3] =	wrdreg s20  }
0xad: {  	[dreg:$0x4] =	wrdreg $0xB  }
0xae: {  	_ =	task.clear_ibuf [dreg:s18], $0x5FFFF;
	_ =	strace $0x9000004C  }
0xaf: {  	s25 =	simm.s32 $0xB;
	_ =	strace $0x8000004E  }
0xb0: {  	_ =	swait.ge [sflag:s25], $0x1  }
0xb1: {  	[sflag:s25] =	ssyncadd.s32 $0xFFFFFFFF  }
0xb2: {  	_ =	strace $0x9000004E  }
0xb3: {  	_ =	strace $0x8000004F;
	[dreg:$0x1] =	wrdreg $0xFFFFFFFF  }
0xb4: {  	[dreg:$0x0] =	wrdreg $0x2030  }
0xb5: {  	[dreg:$0x2] =	wrdreg s20  }
0xb6: {  	[dreg:$0x3] =	wrdreg $0xC  }
0xb7: {  	_ =	task.clear_ibuf [dreg:s18], $0x4FFFF;
	_ =	strace $0x9000004F  }
0xb8: {  	s26 =	simm.s32 $0xC;
	_ =	strace $0x80000051  }
0xb9: {  	_ =	swait.ge [sflag:s26], $0x1  }
0xba: {  	[sflag:s26] =	ssyncadd.s32 $0xFFFFFFFF  }
0xbb: {  	_ =	strace $0x90000051  }
0xbc: {  	_ =	sfence  }
0xbd: {  	s28 =	sld [smem:$0x0];
	_ =	sdelay $0x1  }
0xbe: {  	s29 =	srdreg.scid  }
0xbf: {  	s30 =	sshll.u32 s29, $0xD;
	s31 =	sshrl.u32 s29, $0x2  }
0xc0: {  	s2 =	sand.u32 $0x1, s29;
	s3 =	sand.u32 $0x4000, s30;
	s1 =	sadd.s32 s31, s28  }
0xc1: {  	s2 =	sor.u32 s3, s2;
	s1 =	sshll.u32 s1, $0x11  }
0xc2: {  	s1 =	sor.u32 s1, s2  }
0xc3: {  	s1 =	sadd.s32 $0x8F2B, s1  }
0xc4: {  	[sflag:s1] =	ssyncadd.remote.s32 $0x1  }
0xc5: {  	_ =	sfence.sel $0xFFFF  }
0xc6: {  	[dreg:$0x0] =	wrdreg $0xFFFFFFFF;
	(pc) =	sbr.abs _section_cstart, $3  }
0xc7: {  	[dreg:$0x1] =	wrdreg $0xFFFFFFFF  }
0xc8: {  	_ =	task.clear_ibuf [dreg:s18], $0x2FFFF;
	_ =	strace $0x9FFFFFFF  }
0xc9: {  	(tm) =	ssettm $0x7FFFFFFF  }
tec
execute0_lowered:
.L_overlay_start_1:
0x0: {  	(tag) =	ssettag $0x1  }
0x1: {  	s2 =	rddreg [dreg:$0x0]  }
0x2: {  	s4 =	rddreg [dreg:$0x1]  }
0x3: {  	s0 =	rddreg [dreg:$0x2];
	s3 =	stileid.u32  }
0x4: {  	[bflag:$0x3] =	sbarrier.arrive $0xFFFF;
	s1 =	simm.s32 $_size_execute1_lowered;
	p0 =	sne.s32 s3, $0x0  }
0x5: {  	s1 =	sshll.u32 s1, $0x1;
	s5 =	simm.s32 @!p0 $0x1C3F;
	s6 =	simm.s32 @!p0 $0x4060  }
0x6: {  	[timem:s6], [sflag:s5] =	dma.local @!p0 [hbm:s2], s1  }
0x7: {  	s2 =	smul.u32 $0x280, s3  }
.Ltmp0:
0x8: {  	s31 =	simm.s32 $0x2;
	s7 =	simm.s32 $0x280;
	(pc) =	sbr.rel .LBB2_1-.Ltmp0, $4  }
0x9: {  	s8 =	simm.s32 $0x780;
	s10 =	simm.s32 $0x0;
	s9 =	simm.s32 $0x0  }
0xa: {  	s3 =	simm.s32 $0x1;
	_ =	strace $0x8000004D;
	s30 =	sshrl.u32 s2, $0x3  }
0xb: {  	s6 =	simm.s32 $0x0;
	[sflag:s3] =	ssyncpa.u1 $0x0;
	s5 =	sadd.s32 s30, s4  }
0xc: {  	s4 =	sadd.s32 $0x10400, s4;
	[sflag:s31] =	ssyncpa.u1 $0x0;
	s5 =	sadd.s32 $0x52C00, s5  }
.LBB2_8:
0xd: {  	p1 =	seq.s32 s9, $0x2  }
.Ltmp1:
0xe: {  	_ = 	snop;
	(pc) =	sbr.rel @p1 .LBB2_10-.Ltmp1, $1  }
0xf: {  	_ =	sdelay $0x3  }
.LBB2_9:
0x10: {  	s9 =	sadd.s32 $0x1, s9;
	s10 =	smov.u32 s2  }
.LBB2_1:
0x11: {  	p1 =	sne.s32 s9, $0x0  }
.Ltmp2:
0x12: {  	_ = 	snop;
	(pc) =	sbr.rel @!p1 .LBB2_2-.Ltmp2, $1  }
0x13: {  	_ =	sdelay $0x3  }
0x14: {  	s11 =	sand.u32 $0x1, s9  }
0x15: {  	p1 =	seq.s32 s11, $0x0  }
.Ltmp3:
0x16: {  	_ = 	snop;
	(pc) =	sbr.rel @p1 .LBB2_8-.Ltmp3, $1  }
0x17: {  	_ =	sdelay $0x3  }
0x18: {  	_ =	swait.ge [sflag:s3], $0x280  }
0x19: {  	[sflag:s3] =	ssyncset.done $0x0  }
0x1a: {  	s11 =	simm.s32 $0x0;
	p1 =	por $0x1, $0x1;
	[sflag:s3] =	ssyncadd.s32 $0xFFFFFD80  }
.LBB2_5:
0x1b: {  	v0 =	vld [tilespmem:s11+$0x280]  }
0x1c: {  	v1 =	vld [tilespmem:s11+$0x290]  }
0x1d: {  	v2 =	vld [tilespmem:s11+$0x2A0]  }
0x1e: {  	v3 =	vld [tilespmem:s11+$0x2B0]  }
0x1f: {  	v4 =	vld [tilespmem:s11+$0x2C0]  }
0x20: {  	v53 =	vld [tilespmem:s11+$0x2D0];
	[tilespmem:s11+$0x780] =	vst v0  }
0x21: {  	v54 =	vld [tilespmem:s11+$0x2E0];
	[tilespmem:s11+$0x790] =	vst v1  }
0x22: {  	v55 =	vld [tilespmem:s11+$0x2F0];
	[tilespmem:s11+$0x7A0] =	vst v2  }
0x23: {  	v56 =	vld [tilespmem:s11+$0x300];
	[tilespmem:s11+$0x7B0] =	vst v3  }
0x24: {  	v57 =	vld [tilespmem:s11+$0x310];
	[tilespmem:s11+$0x7C0] =	vst v4  }
0x25: {  	v58 =	vld [tilespmem:s11+$0x320];
	[tilespmem:s11+$0x7D0] =	vst v53  }
0x26: {  	v59 =	vld [tilespmem:s11+$0x330];
	[tilespmem:s11+$0x7E0] =	vst v54  }
0x27: {  	v60 =	vld [tilespmem:s11+$0x340];
	[tilespmem:s11+$0x7F0] =	vst v55  }
0x28: {  	v61 =	vld [tilespmem:s11+$0x350];
	[tilespmem:s11+$0x800] =	vst v56  }
0x29: {  	v62 =	vld [tilespmem:s11+$0x360];
	[tilespmem:s11+$0x810] =	vst v57  }
0x2a: {  	v63 =	vld [tilespmem:s11+$0x370];
	p2 =	por p1, p1;
	[tilespmem:s11+$0x820] =	vst v58  }
.Ltmp4:
0x2b: {  	[tilespmem:s11+$0x830] =	vst v59;
	(pc) =	sbr.rel @p2 .LBB2_5-.Ltmp4, $4  }
0x2c: {  	[tilespmem:s11+$0x840] =	vst v60  }
0x2d: {  	[tilespmem:s11+$0x850] =	vst v61  }
0x2e: {  	s12 =	simm.s32 $0x1F0;
	s13 =	simm.s32 $0x980;
	[tilespmem:s11+$0x860] =	vst v62  }
0x2f: {  	s14 =	simm.s32 $0x480;
	p1 =	por $0x0, $0x0;
	[tilespmem:s11+$0x870] =	vst v63;
	s11 =	simm.s32 $0x100  }
.LBB2_6:
0x30: {  	s12 =	sadd.s32 $0x10, s12  }
0x31: {  	v0 =	vld [tilespmem:s14+$0x0];
	p1 =	slt.u32 s12, $0x270  }
.Ltmp5:
0x32: {  	_ = 	snop;
	(pc) =	sbr.rel @p1 .LBB2_6-.Ltmp5, $2  }
0x33: {  	_ =	sdelay $0x2  }
0x34: {  	s14 =	sadd.s32 $0x10, s14;
	[tilespmem:s13+$0x0] =	vst v0;
	s13 =	sadd.s32 $0x10, s13  }
.Ltmp6:
0x35: {  	(pc) =	sbr.rel .LBB2_8-.Ltmp6, $4  }
0x36: {  	_ = 	snop  }
0x37: {  	s10 =	sshrl.u32 s10, $0x3  }
0x38: {  	s10 =	sadd.s32 s4, s10  }
0x39: {  	[hbm4b:s10+s6] =	stream.linear.scatter [tilespmem:s8], [sflag:$0x2], $0x280, $0x38;
	[tilespmem:$0xA00] =	vst v63  }
.LBB2_2:
.Ltmp7:
0x3a: {  	(pc) =	sbr.rel .LBB2_9-.Ltmp7, $2  }
0x3b: {  	_ =	sdelay $0x2  }
0x3c: {  	[tilespmem:s7], [sflag:$0x1] =	stream.linear.gather [hbm4b:s5+s6], $0x280, $0x38;
	[tilespmem:$0xA00] =	vst v63  }
.LBB2_10:
0x3d: {  	s2 =	simm.s32 $0x2  }
0x3e: {  	_ =	swait.ge [sflag:s2], $0x280  }
0x3f: {  	[sflag:s2] =	ssyncset.done $0x0  }
0x40: {  	[sflag:s2] =	ssyncadd.s32 $0xFFFFFD80  }
0x41: {  	_ =	sfence.sel $0x180000  }
0x42: {  	s3 =	simm.s32 $0x1;
	[bflag:$0x0] =	sbarrier.arrive $0xFFFF  }
0x43: {  	[sflag:s3] =	ssyncpa.u1 $0x1  }
0x44: {  	[sflag:s2] =	ssyncpa.u1 $0x1  }
0x45: {  	_ =	strace $0x9000004D  }
0x46: {  	s0 =	sadd.s32 @!p0 $0x100000, s0;
	[bflag:$0x2] =	sbarrier.arrive $0xFFFF  }
0x47: {  	[sflag:s0] =	ssyncadd.tile.s32 @!p0 $0x1;
	s0 =	simm.s32 @!p0 $0x3F  }
0x48: {  	_ =	swait.ge @!p0 [sflag:s0], s1  }
0x49: {  	s1 =	ssub.s32 @!p0 $0x0, s1;
	[sflag:s0] =	ssyncset.done @!p0 $0x0  }
0x4a: {  	[sflag:s0] =	ssyncadd.s32 @!p0 s1  }
0x4b: {  	[bflag:$0x3] =	sbarrier.arrive $0xFFFF  }
0x4c: {  	_ =	shalt  }
.Lfunc_end2:
execute1_lowered:
.L_overlay_start_2:
0x4d: {  	(tag) =	ssettag $0x2  }
0x4e: {  	s0 =	rddreg [dreg:$0x0]  }
0x4f: {  	s14 =	stileid.u32;
	_ =	strace $0x80000050;
	s2 =	simm.s32 $0x1  }
0x50: {  	v1 =	vimm.s32 $0xFFFFFFFF;
	s1 =	smin.u32 s14, $0x4;
	[sflag:s2] =	ssyncpa.u1 $0x0  }
0x51: {  	s1 =	sadd.s32 s14, s1;
	[tilespmem:$0x10] =	vst v1  }
0x52: {  	v0 =	vimm.f32 $0.0e+00;
	p0 =	slt.u32 s14, $0x4;
	[tilespmem:$0x20] =	vst v1;
	s3 =	smul.u32 $0x1F40, s1;
	s1 =	simm.s32 $0x3E80  }
0x53: {  	[tilespmem:$0x30] =	vst v0;
	s1 =	simm.s32 @!p0 $0x1F40  }
0x54: {  	[tilespmem:$0x40] =	vst v0;
	s1 =	sadd.s32 s1, s3  }
0x55: {  	[tilespmem:$0x50] =	vst v0;
	s4 =	smin.u32 s1, $0x27100  }
0x56: {  	[tilespmem:$0x60] =	vst v1;
	s9 =	ssub.s32 s4, s3  }
0x57: {  	s7 =	simm.s32 $0x2;
	s8 =	simm.s32 $0x8;
	[tilespmem:$0x70] =	vst v1;
	p0 =	sgt.s32 s9, $0x0  }
0x58: {  	s31 =	simm.s32 $0x9;
	s16 =	simm.s32 $0x0;
	[tilespmem:$0x80] =	vst v1;
	s9 =	simm.s32 @!p0 $0x0  }
0x59: {  	s17 =	simm.s32 $0xF0;
	s18 =	simm.s32 $0xFFFFFFFF;
	v1 =	vimm.s32 $0x0;
	[tilespmem:$0xB0] =	vst v0;
	s5 =	smulhi.u32 $0x10624DD3, s9  }
0x5a: {  	s19 =	simm.s32 $0xFFFFC280;
	s20 =	simm.s32 $0xFFFFFFFE;
	s21 =	simm.s32 $0xF;
	[tilespmem:$0x90] =	vst v1  }
0x5b: {  	[tilespmem:$0xA0] =	vst v1;
	[sflag:s7] =	ssyncpa.u1 $0x0;
	s7 =	simm.s32 $0x7;
	s10 =	sshrl.u32 s5, $0x9  }
0x5c: {  	s25 =	simm.s32 $0x0;
	[sflag:s7] =	ssyncpa.u1 $0x0;
	s11 =	smul.u32 $0x1F40, s10  }
0x5d: {  	s24 =	simm.s32 $0x0;
	s6 =	sadd.s32 $0x53800, s0;
	[sflag:s8] =	ssyncpa.u1 $0x0  }
.Ltmp8:
0x5e: {  	s23 =	smov.u32 s3;
	p0 =	sne.s32 s9, s11;
	(pc) =	sbr.rel .LBB3_1-.Ltmp8, $4  }
0x5f: {  	s1 =	sadd.s32 $0x10400, s0;
	[sflag:s31] =	ssyncpa.u1 $0x0;
	s2 =	simm.s32 @!p0 $0x0  }
0x60: {  	s5 =	sadd.s32 $0x1400, s0;
	p0 =	por $0x0, $0x0;
	s9 =	sadd.s32 s2, s10  }
0x61: {  	vm0 =	vmmov $0xffff;
	v2 =	vlaneseq.u32;
	s10 =	sshll.u32 s14, $0x1;
	s14 =	sshllo.u32 s14, $0x1;
	s11 =	sadd.s32 $0x1, s9  }
0x62: {  	vm1 =	vmxor vm1, vm1;
	vm2 =	vmmov $0x1;
	vm3 =	vcmask $0x3F3C;
	s12 =	sadd.s32 $0x2, s9;
	s13 =	sor.u32 $0x81, s10;
	s15 =	sor.u32 $0x80, s10  }
.LBB3_9:
0x63: {  	p1 =	slt.u32 s24, $0x3  }
0x64: {  	s0 =	simm.s32 @!p1 $0x2  }
0x65: {  	_ =	swait.ge @!p1 [sflag:s0], $0x1F40  }
0x66: {  	[sflag:s0] =	ssyncset.done @!p1 $0x0  }
0x67: {  	[sflag:s0] =	ssyncadd.s32 @!p1 $0xFFFFE0C0;
	s0 =	simm.s32 @!p1 $0x9  }
0x68: {  	_ =	swait.ge @!p1 [sflag:s0], $0x10  }
0x69: {  	[sflag:s0] =	ssyncset.done @!p1 $0x0  }
0x6a: {  	[sflag:s0] =	ssyncadd.s32 @!p1 $0xFFFFFFF0;
	p1 =	sne.s32 s24, s12  }
.Ltmp9:
0x6b: {  	s2 =	sadd.s32 $0x1F40, s23;
	(pc) =	sbr.rel @!p1 .LBB3_10-.Ltmp9, $4  }
0x6c: {  	s22 =	smov.u32 s3;
	s31 =	sadd.s32 $0x1, s24;
	s17 =	sadd.s32 $0x1F40, s17  }
0x6d: {  	s18 =	sadd.s32 $0x1, s18;
	s25 =	smov.u32 s23;
	p2 =	slt.s32 s2, s4  }
0x6e: {  	p0 =	por !p0, !p0;
	s19 =	sadd.s32 $0x1F40, s19;
	s22 =	smov.u32 @p2 s2  }
0x6f: {  	s20 =	sadd.s32 $0x1, s20;
	s23 =	smov.u32 s22;
	s24 =	smov.u32 s31  }
.LBB3_1:
0x70: {  	p1 =	sge.u32 s24, s9  }
0x71: {  	s0 =	smulhi.u32 @!p1 $0xAAAAAAAB, s24;
	_ =	sdelay $0x1  }
0x72: {  	s0 =	sshrl.u32 @!p1 s0, $0x1  }
0x73: {  	s0 =	smul.u32 @!p1 $0x3, s0;
	_ =	sdelay $0x1  }
0x74: {  	s0 =	ssub.s32 @!p1 s24, s0  }
0x75: {  	s0 =	smul.u32 @!p1 $0x7D00, s0;
	_ =	sdelay $0x1  }
0x76: {  	s2 =	sshrl.u32 @!p1 s23, $0x3;
	s0 =	sshrl.u32 @!p1 s0, $0x2  }
0x77: {  	s22 =	sand.u32 @!p1 $0x7, s23;
	s2 =	sadd.s32 @!p1 s5, s2;
	s0 =	sadd.s32 @!p1 $0x100, s0  }
0x78: {  	[tilespmem:s0], [sflag:$0x7] =	stream.linear.gather @!p1 [hbm4b:s2+s22], $0x1F40, $0x38;
	[tilespmem:$0x11A60] =	vst v63  }
0x79: {  	s0 =	sadd.s32 $0xFFFFFFFF, s24  }
0x7a: {  	p1 =	sge.u32 s0, s9  }
.Ltmp10:
0x7b: {  	_ = 	snop;
	(pc) =	sbr.rel @p1 .LBB3_5-.Ltmp10, $1  }
0x7c: {  	_ =	sdelay $0x3  }
0x7d: {  	s2 =	smulhi.u32 $0xAAAAAAAB, s0;
	_ =	sdelay $0x1  }
0x7e: {  	s2 =	sshrl.u32 s2, $0x1  }
0x7f: {  	s2 =	smul.u32 $0x3, s2;
	_ =	sdelay $0x1  }
0x80: {  	s2 =	ssub.s32 s0, s2  }
0x81: {  	s2 =	smul.u32 $0x7D00, s2  }
0x82: {  	_ =	swait.ge [sflag:s7], $0x1F40  }
0x83: {  	[sflag:s7] =	ssyncset.done $0x0;
	s2 =	sshrl.u32 s2, $0x2  }
0x84: {  	[sflag:s7] =	ssyncadd.s32 $0xFFFFE0C0;
	(ifvalue) =	ssetifvalue $0xFFFFFFFF;
	v3 =	vld.msk [tilespmem:s2+$0x100 ss:$0x1], $0xffff;
	_ =	sdelay $0x2  }
0x85: {  	s30 =	smulhi.u32 $0xAAAAAAAB, s18;
	p1 =	sne.s32 s24, $0x1  }
0x86: {  	v4 =	vimm.s32 @!p1 $0x0  }
0x87: {  	s2 =	sshrl.u32 s30, $0x1;
	v4 =	vperm.xlane @!p1 v3, v4  }
0x88: {  	s22 =	sshll.u32 s24, $0x4;
	s2 =	smul.u32 $0xFFFE8900, s2;
	vm4 =	vlt.u32 v3, $0x2800  }
0x89: {  	s22 =	sand.u32 $0x10, s22;
	v3 =	vnsel vm4, $0xFFFFFFFE, v3;
	vm4 =	vlt.u32 @!p1 v4, $0x2800  }
0x8a: {  	s2 =	sshra.s32 s2, $0x2;
	[tilespmem:s22+$0x60] =	vst v3;
	v3 =	vnsel @!p1 vm4, $0xFFFFFFFE, v4  }
0x8b: {  	s28 =	sadd.s32 s2, s17;
	[tilespmem:$0x80] =	vst @!p1 v3  }
0x8c: {  	v3 =	vld.msk [tilespmem:s28+$0x0 ss:$0x1], $0xffff;
	_ =	sdelay $0x4  }
0x8d: {  	(xrf1) =	vunique.msk.u32 $0xffff, v3;
	_ =	sdelay $0xd  }
0x8e: {  	v4 =	vimm.s32 $0xFFFFFFFF;
	v5, _, _ =	vpop (xrf1)  }
0x8f: {  	vm5 =	vne.s32 v3, v4;
	vm4 =	veq.s32 v5, v2  }
0x90: {  	vm6 =	vlt.u32 v3, $0x2800;
	vm4 =	vmand vm5, vm4  }
0x91: {  	vm4 =	vmand vm6, vm4  }
0x92: {  	v4 =	vnsel vm4, $0xFFFFFFFF, v3  }
0x93: {  	s31 =	sand.u32 $0x1, s0  }
0x94: {  	s0 =	simm.s32 $0x1F40;
	p1 =	seq.s32 s31, $0x1  }
0x95: {  	s0 =	simm.s32 @!p1 $0x0  }
0x96: {  	s26 =	sadd.s32 $0x7DF0, s0;
	(ifvalue) =	ssetifvalue $0xFFFFFFFF  }
0x97: {  	v3 =	vperm.xlane v3, v1;
	[tilespmem:s26], [sflag:$0x8] =	stream.indirect_vreg.gather [hbm4b:s1+s16], $0x1, v4, vm0, $0x4038;
	v4 =	vnsel vm6, $0xFFFFFFFE, v4;
	[tilespmem:$0x11A60] =	vst v63  }
0x98: {  	s2 =	simm.s32 $0x0;
	s22 =	sadd.s32 $0xFFFFFFF0, s28;
	[tilespmem:s28+$0x0] =	vst v4  }
.LBB3_3:
0x99: {  	v4 =	vld.msk [tilespmem:s22+$0x0 ss:$0x1], $0xffff;
	s2 =	sadd.s32 $0x10, s2;
	v5 =	vmov v3;
	s28 =	smov.u32 s22  }
0x9a: {  	p1 =	slt.u32 s2, $0x1F30;
	_ =	sdelay $0x4  }
0x9b: {  	v3 =	vperm.xlane v4, v1;
	(xrf1) =	vunique.msk.u32 $0xffff, v4;
	_ =	sdelay $0xd  }
0x9c: {  	v6, _, _ =	vpop (xrf1)  }
0x9d: {  	vm5 =	vne.s32 v4, v5;
	vm4 =	veq.s32 v6, v2  }
0x9e: {  	vm6 =	vlt.u32 v4, $0x2800;
	vm4 =	vmand vm5, vm4  }
0x9f: {  	vm4 =	vmand vm6, vm4  }
0xa0: {  	v4 =	vnsel vm4, $0xFFFFFFFF, v4  }
.Ltmp11:
0xa1: {  	v5 =	vnsel vm6, $0xFFFFFFFE, v4;
	(pc) =	sbr.rel @p1 .LBB3_3-.Ltmp11, $3  }
0xa2: {  	_ =	sdelay $0x1  }
0xa3: {  	s22 =	sadd.s32 $0xFFFFFFF0, s22;
	s26 =	sadd.s32 $0xFFFFFFF0, s26;
	(ifvalue) =	ssetifvalue $0xFFFFFFFF  }
0xa4: {  	[tilespmem:s26], [sflag:$0x8] =	stream.indirect_vreg.gather [hbm4b:s1+s16], $0x1, v4, vm0, $0x4038;
	[tilespmem:s28+$0x0] =	vst v5  }
0xa5: {  	s2 =	sshrl.u32 s25, $0x3  }
0xa6: {  	s0 =	sadd.s32 $0x9D40, s0;
	s2 =	sadd.s32 s6, s2  }
0xa7: {  	[tilespmem:s0], [sflag:$0x8] =	stream.linear.gather [hbm:s2], $0x1F40, $0x38;
	[tilespmem:$0x11A60] =	vst v63  }
.LBB3_5:
0xa8: {  	p1 =	slt.u32 s24, $0x2  }
0xa9: {  	p2 =	sge.u32 @!p1 s24, s12  }
0xaa: {  	p1 =	por p1, p2  }
.Ltmp12:
0xab: {  	_ = 	snop;
	(pc) =	sbr.rel @p1 .LBB3_9-.Ltmp12, $1  }
0xac: {  	_ =	sdelay $0x3  }
0xad: {  	s0 =	sadd.s32 $0xFFFFFFFE, s24  }
0xae: {  	s2 =	smulhi.u32 $0xAAAAAAAB, s0;
	_ =	sdelay $0x1  }
0xaf: {  	s2 =	sshrl.u32 s2, $0x1  }
0xb0: {  	s2 =	smul.u32 $0x3, s2;
	_ =	sdelay $0x1  }
0xb1: {  	s0 =	ssub.s32 s0, s2  }
0xb2: {  	_ =	swait.ge [sflag:s8], $0x3E80;
	s0 =	smul.u32 $0x1F40, s0  }
0xb3: {  	p1 =	sne.s32 s24, s11;
	[sflag:s8] =	ssyncset.done $0x0  }
0xb4: {  	[sflag:s8] =	ssyncadd.s32 $0xFFFFC180;
	s2 =	sadd.s32 @!p1 $0x203F, s0  }
0xb5: {  	[spmem:s13] =	stream.linear.scatter @!p1 [tilespmem:s2], [sflag:$0x1], $0x1, $0x38;
	[tilespmem:$0x11A60] =	vst v63  }
0xb6: {  	s2 =	simm.s32 @!p1 $0x1  }
0xb7: {  	_ =	swait.ge @!p1 [sflag:s2], $0x1  }
0xb8: {  	s22 =	sshll.u32 s24, $0x4;
	[sflag:s2] =	ssyncset.done @!p1 $0x0  }
0xb9: {  	s25 =	sand.u32 $0x10, s22;
	[sflag:s2] =	ssyncadd.s32 @!p1 $0xFFFFFFFF  }
0xba: {  	s2 =	sxor.u32 $0x10, s25;
	v4 =	vld [tilespmem:s25+$0x10]  }
0xbb: {  	v5 =	vld [tilespmem:s2+$0x60]  }
0xbc: {  	v3 =	vld [tilespmem:$0x80];
	_ =	sdelay $0x2  }
0xbd: {  	(v2sf) =	vpush v4, $0x0  }
0xbe: {  	(v2sf) =	vpush v5, $0x0  }
0xbf: {  	(v2sf) =	vpush v3, $0x0;
	_ =	sdelay $0xc  }
0xc0: {  	s22 =	spop (v2sf)  }
0xc1: {  	s26 =	spop (v2sf)  }
0xc2: {  	s28 =	spop (v2sf)  }
0xc3: {  	p2 =	seq.s32 s22, s26;
	p3 =	seq.s32 s28, s22  }
0xc4: {  	p3 =	por p2, p3  }
0xc5: {  	s26 =	sand.u32 $0x1, s24;
	v4 =	vpsel p3, $0xFFFFFFFF, v4  }
0xc6: {  	s29 =	smul.u32 $0x1F40, s26;
	[tilespmem:s25+$0x10] =	vst.msk $0x1, v4  }
0xc7: {  	v4 =	vld [tilespmem:$0x30]  }
0xc8: {  	v5 =	vld [tilespmem:s29+$0x9D40]  }
0xc9: {  	v6 =	vld [tilespmem:s25+$0x40];
	_ =	sdelay $0x3  }
0xca: {  	vm4 =	vmmov vm1;
	v5 =	vadd.f32 v5, v4  }
0xcb: {  	vm5 =	vmmov vm2;
	vm4 =	vmmov @p2 vm2;
	s22 =	sshll.u32 s26, $0x4;
	v4 =	vadd.f32 v6, v4  }
0xcc: {  	s26 =	sor.u32 $0x11A40, s22;
	vm5 =	vmmov @p3 vm1;
	[tilespmem:s29+$0x9D40] =	vst.msk vm4, v5  }
0xcd: {  	[tilespmem:s26+$0x0] =	vst.msk vm5, v4  }
0xce: {  	v4 =	vld [tilespmem:s29+$0x7DF0];
	_ =	sdelay $0x3  }
0xcf: {  	v5 =	vimm.f32 $0.0e+00  }
0xd0: {  	v4 =	vshift.insert v4, v5, s21  }
0xd1: {  	s22 =	sor.u32 $0x40, s2  }
0xd2: {  	[tilespmem:s22+$0x0] =	vst.msk $0x1, v4  }
0xd3: {  	[tilespmem:s29+$0x7DFF] =	vst.msk $0x1, v5  }
0xd4: {  	v4 =	vld [tilespmem:s0+$0x2030];
	_ =	sdelay $0x1  }
0xd5: {  	s22 =	smulhi.u32 $0xAAAAAAAB, s20;
	s0 =	simm.s32 $0x1  }
0xd6: {  	s0 =	simm.s32 @!p0 $0x0  }
0xd7: {  	s22 =	sshrl.u32 s22, $0x1;
	s0 =	smul.u32 $0x7D00, s0  }
0xd8: {  	s22 =	smul.u32 $0xFFFE8900, s22;
	v4 =	vshift.insert v4, v1, s21  }
0xd9: {  	s0 =	sshrl.u32 s0, $0x2  }
0xda: {  	s22 =	sshra.s32 s22, $0x2;
	s30 =	sadd.s32 $0x9D40, s0;
	[tilespmem:s2+$0x10] =	vst.msk $0x1, v4  }
0xdb: {  	s22 =	sadd.s32 s22, s19;
	v6 =	vld [tilespmem:s30+$0x0]  }
0xdc: {  	v7 =	vld [tilespmem:s22+$0x0];
	_ =	sdelay $0x3  }
0xdd: {  	v5 =	vadd.f32 v6, v5  }
0xde: {  	vm4 =	vne.s32 v7, $0xFFFFFFFF  }
0xdf: {  	(xrf2) =	vadd.seg.scan.f32 vm4, v5;
	_ =	sdelay $0x3  }
0xe0: {  	s31 =	sadd.s32 $0x5EC0, s0;
	v5 =	vperm.xlane v4, v1  }
0xe1: {  	v6 =	vld [tilespmem:s31+$0x0]  }
0xe2: {  	vm5 =	veq.s32 v7, v3;
	vm6 =	veq.s32 v7, v5  }
0xe3: {  	vm7 =	vgt.u32 v7, $0xFFFFFFFD;
	vm6 =	vmor vm6, vm5  }
0xe4: {  	vm6 =	vmor vm6, vm7  }
0xe5: {  	v9 =	vld [tilespmem:$0xA0];
	v7 =	vsel vm6, $0xFFFFFFFF, v7  }
0xe6: {  	v10 =	vld [tilespmem:$0x90];
	v6 =	vsel vm5, $0x0, v6;
	v8, _, _ =	vpop (xrf2)  }
0xe7: {  	v6 =	vadd.f32 v8, v6  }
0xe8: {  	s0 =	sadd.s32 $0xDBC0, s0  }
0xe9: {  	vm4 =	vmand vm4, vm3;
	[tilespmem:s0+$0x0] =	vst v6;
	(ifvalue) =	ssetifvalue $0xFFFFFFFF  }
0xea: {  	vm6 =	veq.s32 v9, $0x1;
	[hbm4b:s1+s16] =	stream.indirect_vreg.scatter [tilespmem:s0], [sflag:$0x2], $0x1, v7, vm0, $0x4038;
	v7 =	vsel vm4, $0x0, v8;
	[tilespmem:$0x11A60] =	vst v63  }
0xeb: {  	s2 =	simm.s32 $0x0;
	s22 =	sadd.s32 $0x10, s22;
	vm4 =	vmor vm6, vm5;
	v6 =	vsel vm5, v8, v10;
	v7 =	vshift.insert v7, v0, s21  }
.LBB3_7:
0xec: {  	v8 =	vld [tilespmem:s22+$0x0];
	s30 =	sadd.s32 $0x10, s30  }
0xed: {  	s31 =	sadd.s32 $0x10, s31;
	v9 =	vld [tilespmem:s30+$0x0]  }
0xee: {  	s2 =	sadd.s32 $0x10, s2;
	v10 =	vld [tilespmem:s31+$0x0]  }
0xef: {  	p2 =	slt.u32 s2, $0x1F30;
	_ =	sdelay $0x2  }
0xf0: {  	v7 =	vadd.f32 v9, v7  }
0xf1: {  	vm5 =	vne.s32 v8, $0xFFFFFFFF  }
0xf2: {  	vm6 =	vmand vm5, vm3;
	(xrf2) =	vadd.seg.scan.f32 vm5, v7;
	_ =	sdelay $0x5  }
0xf3: {  	vm7 =	veq.s32 v8, v5;
	vm5 =	veq.s32 v8, v3  }
0xf4: {  	vm8 =	vgt.u32 v8, $0xFFFFFFFD;
	vm4 =	vmor vm4, vm5;
	vm7 =	vmor vm7, vm5  }
0xf5: {  	vm7 =	vmor vm7, vm8  }
0xf6: {  	v8 =	vsel vm7, $0xFFFFFFFF, v8  }
.Ltmp13:
0xf7: {  	v7 =	vsel vm5, $0x0, v10;
	v9, _, _ =	vpop (xrf2);
	(pc) =	sbr.rel @p2 .LBB3_7-.Ltmp13, $4  }
0xf8: {  	v6 =	vsel vm5, v9, v6;
	v10 =	vadd.f32 v9, v7;
	v7 =	vsel vm6, $0x0, v9  }
0xf9: {  	s0 =	sadd.s32 $0x10, s0;
	v7 =	vshift.insert v7, v0, s21  }
0xfa: {  	s22 =	sadd.s32 $0x10, s22;
	[tilespmem:s0+$0x0] =	vst v10;
	(ifvalue) =	ssetifvalue $0xFFFFFFFF  }
0xfb: {  	[hbm4b:s1+s16] =	stream.indirect_vreg.scatter [tilespmem:s0], [sflag:$0x2], $0x1, v8, vm0, $0x4038;
	[tilespmem:$0x11A60] =	vst v63  }
0xfc: {  	v3 =	vld [tilespmem:s29+$0xFAF0];
	_ =	sdelay $0x4  }
0xfd: {  	v3 =	vshift.insert v3, v0, s21  }
0xfe: {  	s0 =	simm.s32 $0x30  }
0xff: {  	[tilespmem:s0+$0x0] =	vst.msk $0x1, v3  }
0x100: {  	v3 =	vsel vm4, $0x1, v1;
	[tilespmem:$0x90] =	vst v6  }
0x101: {  	s0 =	sadd.s32 @!p1 $0xFAFF, s29;
	[tilespmem:$0xA0] =	vst v3  }
0x102: {  	[spmem:s14] =	stream.linear.scatter @!p1 [tilespmem:s0], [sflag:$0x1], $0x1, $0x38;
	[tilespmem:$0x11A60] =	vst v63  }
0x103: {  	s0 =	simm.s32 @!p1 $0x1  }
0x104: {  	v3 =	vmctz.xlane @!p1 vm4;
	_ =	swait.ge @!p1 [sflag:s0], $0x1  }
0x105: {  	(v2sf) =	vpush @!p1 v4, $0x0  }
0x106: {  	(v2sf) =	vpush @!p1 v3, $0x0;
	_ =	sdelay $0xd  }
0x107: {  	s2 =	spop @!p1 (v2sf)  }
0x108: {  	s22 =	spop @!p1 (v2sf)  }
0x109: {  	p2 =	sne.s32 @!p1 s28, s2;
	p3 =	slt.s32 @!p1 s22, $0xF  }
0x10a: {  	[sflag:s0] =	ssyncset.done @!p1 $0x0;
	p2 =	por p2, p1;
	p3 =	por !p3, p1  }
0x10b: {  	[sflag:s0] =	ssyncadd.s32 @!p1 $0xFFFFFFFF;
	v3 =	vimm.s32 @!p2 $0xFFFFFFFF;
	s22 =	simm.s32 @p3 $0xF  }
0x10c: {  	[tilespmem:$0x80] =	vst @!p2 v3;
	s2 =	sadd.s32 @!p1 $0x90, s22  }
0x10d: {  	[spmem:s10] =	stream.linear.scatter @!p1 [tilespmem:s2], [sflag:$0x1], $0x1, $0x38;
	[tilespmem:$0x11A60] =	vst v63  }
0x10e: {  	_ =	swait.ge @!p1 [sflag:s0], $0x1  }
0x10f: {  	[sflag:s0] =	ssyncset.done @!p1 $0x0  }
0x110: {  	s2 =	simm.s32 @!p1 $0x80;
	[sflag:s0] =	ssyncadd.s32 @!p1 $0xFFFFFFFF  }
0x111: {  	[spmem:s15] =	stream.linear.scatter @!p1 [tilespmem:s2], [sflag:$0x1], $0x1, $0x38;
	[tilespmem:$0x11A60] =	vst v63  }
0x112: {  	_ =	swait.ge @!p1 [sflag:s0], $0x1  }
0x113: {  	[sflag:s0] =	ssyncset.done @!p1 $0x0  }
0x114: {  	[sflag:s0] =	ssyncadd.s32 @!p1 $0xFFFFFFFF;
	(ifvalue) =	ssetifvalue $0xFFFFFFFF;
	v3 =	vld [tilespmem:s25+$0x10];
	_ =	sdelay $0x3  }
.Ltmp14:
0x115: {  	_ = 	snop;
	(pc) =	sbr.rel .LBB3_9-.Ltmp14, $3  }
0x116: {  	_ =	sdelay $0x1  }
0x117: {  	(ifvalue) =	ssetifvalue $0xFFFFFFFF  }
0x118: {  	[hbm4b:s1+s16] =	stream.indirect_vreg.scatter [tilespmem:s26], [sflag:$0x9], $0x1, v3, vm0, $0x4038;
	[tilespmem:$0x11A60] =	vst v63  }
.LBB3_10:
0x119: {  	_ =	sfence.sel $0x180000  }
0x11a: {  	s0 =	simm.s32 $0x7;
	[bflag:$0x0] =	sbarrier.arrive $0xFFFF  }
0x11b: {  	s26 =	simm.s32 $0x8;
	[sflag:s0] =	ssyncpa.u1 $0x1  }
0x11c: {  	s28 =	simm.s32 $0x9;
	[sflag:s26] =	ssyncpa.u1 $0x1  }
0x11d: {  	[sflag:s28] =	ssyncpa.u1 $0x1  }
0x11e: {  	_ =	sfence.stream.spmem  }
0x11f: {  	s29 =	simm.s32 $0x3;
	[bflag:$0x0] =	sbarrier.arrive $0xFFFF  }
0x120: {  	s30 =	simm.s32 $0x4;
	[sflag:s29] =	ssyncpa.u1 $0x1  }
0x121: {  	s31 =	simm.s32 $0x3C;
	s2 =	stileid.u32;
	[sflag:s30] =	ssyncpa.u1 $0x1  }
0x122: {  	p0 =	sne.s32 s2, $0x0;
	[sflag:s31] =	ssyncpa.u1 $0x1  }
0x123: {  	s0 =	simm.s32 @p0 $0x1;
	_ =	sfence @p0  }
0x124: {  	[sflag:s0] =	ssyncpa.u1 @p0 $0x1;
	s0 =	simm.s32 @p0 $0x2  }
0x125: {  	[sflag:s0] =	ssyncpa.u1 @p0 $0x1  }
0x126: {  	_ =	strace @p0 $0x90000050  }
0x127: {  	[bflag:$0x2] =	sbarrier.arrive @p0 $0xFFFF  }
0x128: {  	_ =	shalt @p0  }
.LBB3_11:
0x129: {  	_ =	sfence.stream.spmem;
	s0 =	simm.s32 $0x5  }
0x12a: {  	s2 =	simm.s32 $0x80;
	s3 =	simm.s32 $0xC0;
	[sflag:s0] =	ssyncpa.u1 $0x0  }
0x12b: {  	[tilespmem:s3], [sflag:$0x5] =	stream.linear.gather [spmem:s2], $0x20, $0x38;
	[tilespmem:$0x11A60] =	vst v63  }
0x12c: {  	s2 =	simm.s32 $0x0;
	s3 =	simm.s32 $0xE0  }
0x12d: {  	[tilespmem:s3], [sflag:$0x5] =	stream.linear.gather [spmem:s2], $0x20, $0x38;
	[tilespmem:$0x11A60] =	vst v63  }
.Ltmp15:
0x12e: {  	_ = 	snop;
	(pc) =	sbr.rel .LBB3_12-.Ltmp15, $4  }
0x12f: {  	_ =	swait.ge [sflag:s0], $0x40  }
0x130: {  	[sflag:s0] =	ssyncset.done $0x0  }
0x131: {  	s31 =	simm.s32 $0x6;
	[sflag:s0] =	ssyncadd.s32 $0xFFFFFFC0  }
0x132: {  	s4 =	simm.s32 $0x0;
	[sflag:s31] =	ssyncpa.u1 $0x0  }
.LBB3_17:
0x133: {  	p0 =	sgt.u32 s5, $0x27FF  }
0x134: {  	s0 =	sshrl.u32 @!p0 s5, $0x3  }
0x135: {  	s5 =	sand.u32 @!p0 $0x7, s5;
	s6 =	simm.s32 @!p0 $0xB0;
	s0 =	sadd.s32 @!p0 s1, s0  }
0x136: {  	[tilespmem:s6], [sflag:$0x6] =	stream.linear.gather @!p0 [hbm4b:s0+s5], $0x1, $0x38;
	[tilespmem:$0x11A60] =	vst v63  }
0x137: {  	s0 =	simm.s32 @!p0 $0x6  }
0x138: {  	_ =	swait.ge @!p0 [sflag:s0], $0x1  }
0x139: {  	[sflag:s0] =	ssyncset.done @!p0 $0x0  }
0x13a: {  	[sflag:s0] =	ssyncadd.s32 @!p0 $0xFFFFFFFF  }
0x13b: {  	v2 =	vmov @!p0 s4;
	v1 =	vld.msk @!p0 [tilespmem:$0xB0], $0x1;
	_ =	sdelay $0x3  }
0x13c: {  	s0 =	simm.s32 @!p0 $0xE0  }
0x13d: {  	[tilespmem:v2+s0+$0x0], v1 =	vst.idx.ret.add.f32.msk @!p0 $0x1, v1  }
0x13e: {  	[tilespmem:s2+$0xC0] =	vst.msk $0x1, v0  }
0x13f: {  	v0 =	vld.msk [tilespmem:s4+$0xE0], $0x1;
	_ =	sdelay $0x4  }
0x140: {  	[tilespmem:s2+$0xE0] =	vst.msk $0x1, v0;
	s2 =	sadd.s32 $0x1, s2  }
.LBB3_19:
0x141: {  	s4 =	sadd.s32 $0x1, s4  }
0x142: {  	p0 =	sne.s32 s4, $0x20  }
.Ltmp16:
0x143: {  	_ = 	snop;
	(pc) =	sbr.rel @!p0 .LBB3_20-.Ltmp16, $1  }
0x144: {  	_ =	sdelay $0x3  }
.LBB3_12:
0x145: {  	v0 =	vld.msk [tilespmem:s4+$0xC0], $0x1;
	_ =	sdelay $0x4  }
0x146: {  	(v2sf) =	vpush v0, $0x0;
	_ =	sdelay $0xe  }
0x147: {  	s5 =	spop (v2sf)  }
0x148: {  	p0 =	seq.s32 s5, $0xFFFFFFFF  }
.Ltmp17:
0x149: {  	_ = 	snop;
	(pc) =	sbr.rel @p0 .LBB3_19-.Ltmp17, $1  }
0x14a: {  	_ =	sdelay $0x3  }
0x14b: {  	p0 =	slt.s32 s2, $0x1  }
.Ltmp18:
0x14c: {  	_ = 	snop;
	(pc) =	sbr.rel @p0 .LBB3_17-.Ltmp18, $1  }
0x14d: {  	_ =	sdelay $0x3  }
0x14e: {  	s0 =	simm.s32 $0xC0;
	p0 =	por $0x0, $0x0  }
0x14f: {  	v1 =	vld.msk @!p0 [tilespmem:s0+$0x0], $0x1;
	_ =	sdelay $0x4  }
0x150: {  	(v2sf) =	vpush @!p0 v1, $0x0;
	_ =	sdelay $0xd  }
0x151: {  	p2 =	sne.s32 s2, $0x1  }
.Ltmp19:
0x152: {  	s6 =	spop @!p0 (v2sf);
	(pc) =	sbr.rel @!p2 .LBB3_16-.Ltmp19, $4  }
0x153: {  	p1 =	seq.s32 @!p0 s5, s6  }
0x154: {  	s6 =	simm.s32 $0x0;
	p1 =	por !p1, p0  }
0x155: {  	s8 =	simm.s32 $0xFFFFFFFF;
	s6 =	simm.s32 @p1 $0xFFFFFFFF  }
0x156: {  	s7 =	simm.s32 $0x1;
	s6 =	smov.u32 @p0 s8  }
.LBB3_15:
0x157: {  	s8 =	smov.u32 s6;
	p0 =	sne.s32 s6, $0xFFFFFFFF  }
0x158: {  	s0 =	sadd.s32 $0x1, s0;
	s6 =	smov.u32 s7;
	s7 =	sadd.s32 $0x1, s7  }
0x159: {  	p1 =	sne.s32 s2, s7;
	v1 =	vld.msk @!p0 [tilespmem:s0+$0x0], $0x1;
	_ =	sdelay $0x4  }
0x15a: {  	(v2sf) =	vpush @!p0 v1, $0x0;
	_ =	sdelay $0xe  }
.Ltmp20:
0x15b: {  	s9 =	spop @!p0 (v2sf);
	(pc) =	sbr.rel @p1 .LBB3_15-.Ltmp20, $4  }
0x15c: {  	p2 =	seq.s32 @!p0 s5, s9  }
0x15d: {  	p2 =	por !p2, p0  }
0x15e: {  	s6 =	simm.s32 @p2 $0xFFFFFFFF  }
0x15f: {  	s6 =	smov.u32 @p0 s8  }
.LBB3_16:
0x160: {  	p0 =	sne.s32 s6, $0xFFFFFFFF  }
.Ltmp21:
0x161: {  	_ = 	snop;
	(pc) =	sbr.rel @!p0 .LBB3_17-.Ltmp21, $1  }
0x162: {  	_ =	sdelay $0x3  }
0x163: {  	v0 =	vld.msk [tilespmem:s4+$0xE0], $0x1;
	v1 =	vmov s6  }
.Ltmp22:
0x164: {  	_ = 	snop;
	(pc) =	sbr.rel .LBB3_19-.Ltmp22, $2  }
0x165: {  	_ =	sdelay $0x2  }
0x166: {  	[tilespmem:v1+s3+$0x0], v0 =	vst.idx.ret.add.f32.msk $0x1, v0  }
.LBB3_20:
0x167: {  	p0 =	slt.s32 s2, $0x1  }
.Ltmp23:
0x168: {  	_ = 	snop;
	(pc) =	sbr.rel @p0 .LBB3_24-.Ltmp23, $3  }
0x169: {  	_ =	sdelay $0x1  }
0x16a: {  	s0 =	simm.s32 $0x6  }
0x16b: {  	s3 =	simm.s32 $0x0;
	[sflag:s0] =	ssyncpa.u1 $0x1  }
0x16c: {  	s0 =	simm.s32 $0xC0  }
0x16d: {  	v0 =	vld.msk [tilespmem:s0+$0x0], $0x1;
	_ =	sdelay $0x4  }
0x16e: {  	(v2sf) =	vpush v0, $0x0;
	_ =	sdelay $0xe  }
0x16f: {  	s2 =	sadd.s32 $0xFFFFFFFF, s2;
	s4 =	spop (v2sf)  }
0x170: {  	p1 =	sne.s32 s2, $0x0;
	p0 =	sgt.u32 s4, $0x27FF  }
.Ltmp24:
0x171: {  	s5 =	sshrl.u32 @!p0 s4, $0x3;
	(pc) =	sbr.rel @!p1 .LBB3_23-.Ltmp24, $4  }
0x172: {  	s0 =	simm.s32 $0xE0;
	s4 =	sand.u32 @!p0 $0x7, s4;
	s5 =	sadd.s32 @!p0 s1, s5  }
0x173: {  	[hbm4b:s5+s4] =	stream.linear.scatter @!p0 [tilespmem:s0], [sflag:$0x5], $0x1, $0x38;
	[tilespmem:$0x11A60] =	vst v63  }
0x174: {  	s5 =	simm.s32 $0x0  }
0x175: {  	s4 =	simm.s32 $0xC1;
	s5 =	simm.s32 @!p0 $0x4  }
.LBB3_22:
0x176: {  	v0 =	vld.msk [tilespmem:s4+$0x0], $0x1;
	s2 =	sadd.s32 $0xFFFFFFFF, s2;
	s3 =	sadd.s32 s3, s5  }
0x177: {  	p0 =	sne.s32 s2, $0x0;
	_ =	sdelay $0x3  }
0x178: {  	(v2sf) =	vpush v0, $0x0;
	_ =	sdelay $0xe  }
.Ltmp25:
0x179: {  	s6 =	spop (v2sf);
	(pc) =	sbr.rel @p0 .LBB3_22-.Ltmp25, $4  }
0x17a: {  	s5 =	simm.s32 $0x0;
	p1 =	sgt.u32 s6, $0x27FF  }
0x17b: {  	s0 =	sadd.s32 $0x1, s0;
	s5 =	simm.s32 @!p1 $0x4;
	s7 =	sshrl.u32 @!p1 s6, $0x3  }
0x17c: {  	s4 =	sadd.s32 $0x1, s4;
	s6 =	sand.u32 @!p1 $0x7, s6;
	s7 =	sadd.s32 @!p1 s1, s7  }
0x17d: {  	[hbm4b:s7+s6] =	stream.linear.scatter @!p1 [tilespmem:s0], [sflag:$0x5], $0x1, $0x38;
	[tilespmem:$0x11A60] =	vst v63  }
.LBB3_23:
0x17e: {  	s0 =	sadd.s32 s3, s5  }
0x17f: {  	s3 =	sshrl.u32 s0, $0x2  }
.LBB3_24:
0x180: {  	s0 =	simm.s32 $0x5  }
0x181: {  	_ =	swait.ge [sflag:s0], s3  }
0x182: {  	s1 =	ssub.s32 $0x0, s3;
	[sflag:s0] =	ssyncset.done $0x0  }
0x183: {  	[sflag:s0] =	ssyncadd.s32 s1  }
0x184: {  	[sflag:s0] =	ssyncpa.u1 $0x1  }
0x185: {  	s29 =	simm.s32 $0x1;
	_ =	sfence  }
0x186: {  	s30 =	simm.s32 $0x2;
	[sflag:s29] =	ssyncpa.u1 $0x1  }
0x187: {  	[sflag:s30] =	ssyncpa.u1 $0x1  }
0x188: {  	_ =	strace $0x90000050  }
0x189: {  	[bflag:$0x2] =	sbarrier.arrive $0xFFFF  }
0x18a: {  	s31 =	rddreg [dreg:$0x1]  }
0x18b: {  	s0 =	sadd.s32 $0x100000, s31  }
0x18c: {  	[sflag:s0] =	ssyncadd.tile.s32 $0x1;
	_ =	shalt  }
.Lfunc_end3:
_tile_overlayer_lowered:
.L_overlay_start_3:
0x18d: {  	(tag) =	ssettag $0x3  }
0x18e: {  	s0 =	rddreg [dreg:$0x0];
	s2 =	stileid.u32  }
0x18f: {  	s1 =	rddreg [dreg:$0x1];
	p0 =	sne.s32 s2, $0x0  }
0x190: {  	s3 =	rddreg [dreg:$0x2];
	[bflag:$0x3] =	sbarrier.arrive $0xFFFF;
	s2 =	simm.s32 @!p0 $0x1C01  }
0x191: {  	[timem:s3], [sflag:s2] =	dma.local @!p0 [hbm:s0], s1  }
0x192: {  	s0 =	simm.s32 @!p0 $0x1  }
0x193: {  	_ =	swait.ge @!p0 [sflag:s0], s1  }
0x194: {  	s1 =	ssub.s32 @!p0 $0x0, s1;
	[sflag:s0] =	ssyncset.done @!p0 $0x0  }
0x195: {  	[sflag:s0] =	ssyncadd.s32 @!p0 s1  }
0x196: {  	[bflag:$0x3] =	sbarrier.arrive $0xFFFF  }
0x197: {  	_ =	shalt  }

// kernel: scatter_offload_async_start
scs
__scs_entry_jumppad:
0x0: {  	(pc) =	sbr.rel $0x88, $3  }
0x1: {  	(tag) =	ssettag $0x0;
	lr =	simm.s32 $0x1  }
0x2: {  	[smem:$0x3F98] =	sst lr;
	_ =	strace $0xD0000000  }
0x3: {  	_ = 	snop  }
0x4: {  	_ = 	snop  }
0x5: {  	_ = 	snop  }
0x6: {  	_ = 	snop  }
0x7: {  	_ = 	snop  }
__scs_overlays_trampoline_lowered:
0x8: {  	[smem:$0x3FA7] =	sst s0  }
0x9: {  	[smem:$0x3FA8] =	sst s1  }
0xa: {  	[smem:$0x3FA9] =	sst s2  }
0xb: {  	[smem:$0x3FAA] =	sst s3  }
0xc: {  	[smem:$0x3FAB] =	sst s4  }
0xd: {  	[smem:$0x3FAC] =	sst s5  }
0xe: {  	[smem:$0x3FAD] =	sst s6  }
0xf: {  	[smem:$0x3FAE] =	sst s7  }
0x10: {  	[smem:$0x3FAF] =	sst s8  }
0x11: {  	[smem:$0x3FB0] =	sst s9;
	s0 =	simm.s32 @!p0 $0x0  }
0x12: {  	s1 =	sld [smem:$0x3F96];
	s0 =	simm.s32 @p0 $0x1  }
0x13: {  	[smem:$0x3FB1] =	sst s0;
	s0 =	simm.s32 @!p1 $0x0  }
0x14: {  	s2 =	sld [smem:$0x3F95];
	s0 =	simm.s32 @p1 $0x1  }
0x15: {  	[smem:$0x3FB2] =	sst s0;
	s0 =	simm.s32 @!p2 $0x0  }
0x16: {  	s3 =	sld [smem:$0x3FDB];
	s0 =	simm.s32 @p2 $0x1  }
0x17: {  	s4 =	simm.s32 $0x1BF5;
	[smem:$0x3FB4] =	sst s0  }
0x18: {  	s0 =	sld [smem:$0x3F97];
	_ =	swait.ge [sflag:s4], $0x0  }
0x19: {  	s7 =	sld [smem:$0x3F98]  }
0x1a: {  	s8 =	sadd.s32 $0xFFFFE003, lr  }
0x1b: {  	s9 =	sadd.s32 $0xFFFFFEF7, lr;
	s5 =	simm.s32 $0xFFFFFFFF;
	p2 =	slt.u32 s8, $0xFFFFF086  }
0x1c: {  	p1 =	slt.u32 s9, $0xF7A;
	s5 =	simm.s32 @!p2 $0x0  }
0x1d: {  	s5 =	simm.s32 @p1 $0x1;
	p0 =	seq.s32 s7, s2  }
0x1e: {  	s7 =	smul.u32 @!p0 $0xF7A, s2;
	p2 =	seq.s32 @!p0 s5, $0x0  }
0x1f: {  	s9 =	smul.u32 $0xF7A, s1;
	s8 =	simm.s32 @!p0 $0x1BF5;
	p2 =	por !p2, p0  }
0x20: {  	[sflag:s8] =	ssyncset.s32 @!p0 $0xFFFFF086;
	s6 =	sadd.s32 @!p0 s3, s7;
	s7 =	simm.s32 @!p0 $0x108  }
0x21: {  	s3 =	sadd.s32 s3, s9;
	s6 =	sadd.s32 @!p0 $0x88, s6;
	s7 =	simm.s32 @p2 $0x1082  }
0x22: {  	[simem:s7], [sflag:s8] =	dma.local @!p0 [hbm:s6], $0xF7A  }
0x23: {  	s9 =	sor.u32 $0xD0000000, s2;
	s6 =	simm.s32 $0x108;
	_ =	swait.ge @!p0 [sflag:s8], $0x0  }
0x24: {  	s3 =	sadd.s32 $0x88, s3;
	s6 =	simm.s32 @!p1 $0x1082;
	[sflag:s4] =	ssyncset.s32 $0xFFFFF086  }
0x25: {  	[simem:s6], [sflag:s4] =	dma.local [hbm:s3], $0xF7A  }
0x26: {  	[smem:$0x3F98] =	sst s1;
	(tag) =	ssettag s2;
	_ =	strace s9  }
0x27: {  	s1 =	sld [smem:$0x3FA8]  }
0x28: {  	s2 =	sld [smem:$0x3FA9]  }
0x29: {  	s4 =	sld [smem:$0x3FAB]  }
0x2a: {  	p0 =	seq.s32 s5, $0x0;
	s5 =	sld [smem:$0x3FAC]  }
0x2b: {  	s6 =	sld [smem:$0x3FAD]  }
0x2c: {  	s7 =	sld [smem:$0x3FAE]  }
0x2d: {  	s3 =	simm.s32 $0x108;
	s8 =	sld [smem:$0x3FAF]  }
0x2e: {  	s3 =	simm.s32 @!p0 $0x1082;
	s9 =	sld [smem:$0x3FB0]  }
0x2f: {  	lr =	sadd.s32 s0, s3;
	s0 =	sld [smem:$0x3FA7]  }
0x30: {  	s3 =	sld [smem:$0x3FAA]  }
0x31: {  	[smem:$0x3FB3] =	sst s10  }
0x32: {  	s10 =	sld [smem:$0x3FB1];
	_ =	sdelay $0x3  }
0x33: {  	p0 =	seq.s32 s10, $0x1;
	s10 =	sld [smem:$0x3FB3];
	_ =	sdelay $0x3  }
0x34: {  	[smem:$0x3FB3] =	sst s10  }
0x35: {  	s10 =	sld [smem:$0x3FB2];
	_ =	sdelay $0x3  }
0x36: {  	p1 =	seq.s32 s10, $0x1;
	s10 =	sld [smem:$0x3FB3];
	_ =	sdelay $0x3  }
0x37: {  	[smem:$0x3FB3] =	sst s10  }
0x38: {  	s10 =	sld [smem:$0x3FB4]  }
0x39: {  	_ = 	snop;
	(pc) =	sbr.ind lr, $3  }
0x3a: {  	_ = 	snop  }
0x3b: {  	_ = 	snop  }
0x3c: {  	p2 =	seq.s32 s10, $0x1;
	s10 =	sld [smem:$0x3FB3]  }
0x3d: {  	_ =	shalt  }
0x3e: {  	_ =	shalt  }
0x3f: {  	_ =	shalt  }
0x40: {  	_ =	shalt  }
0x41: {  	_ =	shalt  }
0x42: {  	_ =	shalt  }
0x43: {  	_ =	shalt  }
0x44: {  	_ =	shalt  }
0x45: {  	_ =	shalt  }
0x46: {  	_ =	shalt  }
0x47: {  	_ =	shalt  }
0x48: {  	_ =	shalt  }
0x49: {  	_ =	shalt  }
0x4a: {  	_ =	shalt  }
0x4b: {  	_ =	shalt  }
0x4c: {  	_ =	shalt  }
0x4d: {  	_ =	shalt  }
0x4e: {  	_ =	shalt  }
0x4f: {  	_ =	shalt  }
0x50: {  	_ =	shalt  }
0x51: {  	_ =	shalt  }
0x52: {  	_ =	shalt  }
0x53: {  	_ =	shalt  }
0x54: {  	_ =	shalt  }
0x55: {  	_ =	shalt  }
0x56: {  	_ =	shalt  }
0x57: {  	_ =	shalt  }
0x58: {  	_ =	shalt  }
0x59: {  	_ =	shalt  }
0x5a: {  	_ =	shalt  }
0x5b: {  	_ =	shalt  }
0x5c: {  	_ =	shalt  }
0x5d: {  	_ =	shalt  }
0x5e: {  	_ =	shalt  }
0x5f: {  	_ =	shalt  }
0x60: {  	_ =	shalt  }
0x61: {  	_ =	shalt  }
0x62: {  	_ =	shalt  }
0x63: {  	_ =	shalt  }
0x64: {  	_ =	shalt  }
0x65: {  	_ =	shalt  }
0x66: {  	_ =	shalt  }
0x67: {  	_ =	shalt  }
0x68: {  	_ =	shalt  }
0x69: {  	_ =	shalt  }
0x6a: {  	_ =	shalt  }
0x6b: {  	_ =	shalt  }
0x6c: {  	_ =	shalt  }
0x6d: {  	_ =	shalt  }
0x6e: {  	_ =	shalt  }
0x6f: {  	_ =	shalt  }
0x70: {  	_ =	shalt  }
0x71: {  	_ =	shalt  }
0x72: {  	_ =	shalt  }
0x73: {  	_ =	shalt  }
0x74: {  	_ =	shalt  }
0x75: {  	_ =	shalt  }
0x76: {  	_ =	shalt  }
0x77: {  	_ =	shalt  }
0x78: {  	_ =	shalt  }
0x79: {  	_ =	shalt  }
0x7a: {  	_ =	shalt  }
0x7b: {  	_ =	shalt  }
0x7c: {  	_ =	shalt  }
0x7d: {  	_ =	shalt  }
0x7e: {  	_ =	shalt  }
0x7f: {  	_ =	shalt  }
0x80: {  	_ =	shalt  }
0x81: {  	_ =	shalt  }
0x82: {  	_ =	shalt  }
0x83: {  	_ =	shalt  }
0x84: {  	_ =	shalt  }
0x85: {  	_ =	shalt  }
0x86: {  	_ =	shalt  }
0x87: {  	_ =	shalt  }
.Lfunc_end0:
.L_simem_size_0:
called_computation_lowered:
.L_overlay_start_0:
0x88: {  	s0 =	sld [smem:$0x3FD9]  }
0x89: {  	s1 =	sld [smem:$0x3FFE];
	_ =	sdelay $0x3  }
0x8a: {  	s0 =	sadd.s32 s1, s0  }
0x8b: {  	[smem:$0x3FBF] =	sst s0  }
0x8c: {  	_ = 	snop  }
0x8d: {  	(tm) =	ssettm $0x1  }
0x8e: {  	s14 =	sld [smem:$0x3FFB];
	_ =	sdelay $0x3  }
0x8f: {  	_ =	strace s14  }
0x90: {  	s0 =	sld [smem:$0x3FFC];
	_ =	sdelay $0x3  }
0x91: {  	_ =	strace s0  }
0x92: {  	s0 =	sld [smem:$0x3FFD];
	_ =	sdelay $0x3  }
0x93: {  	_ =	strace s0  }
0x94: {  	_ =	strace $0x8FFFFFFF  }
0x95: {  	s15 =	sld [smem:$0x3FDB];
	_ =	sdelay $0x1  }
0x96: {  	s16 =	simm.s32 $_scs_section_size  }
0x97: {  	s2 =	simm.s32 $_size__tile_overlayer_lowered;
	s3 =	simm.s32 $_tile_overlayer_lowered  }
0x98: {  	s4 =	simm.s32 $0x1BFF;
	s17 =	sshll.u32 s3, $0x1;
	s1 =	sadd.s32 s16, s15  }
0x99: {  	s18 =	simm.s32 $0x0;
	s2 =	sshll.u32 s2, $0x1;
	s3 =	sadd.s32 s17, s1  }
0x9a: {  	[timem:s18], [sflag:s4] =	dma.local [hbm:s3], s2  }
0x9b: {  	_ =	swait.ge [sflag:s4], s2  }
0x9c: {  	s2 =	ssub.s32 $0x0, s2;
	[sflag:s4] =	ssyncset.done $0x0  }
0x9d: {  	[sflag:s4] =	ssyncadd.s32 s2;
	_ =	sdelay $0x1  }
0x9e: {  	s19 =	simm.s32 $0x1B8B  }
0x9f: {  	_ =	swait.ge [sflag:s19], $0x1  }
0xa0: {  	[sflag:s19] =	ssyncset.done $0x0  }
0xa1: {  	s21 =	simm.s32 $0x1B8E;
	s20 =	sld [smem:$0x3FFE];
	[sflag:s19] =	ssyncadd.s32 $0xFFFFFFFF  }
0xa2: {  	s22 =	simm.s32 $execute0_lowered;
	[smem:$0x3FD2] =	sst s21  }
0xa3: {  	s3 =	sshll.u32 s22, $0x1;
	_ =	strace $0x80000046;
	[dreg:$0x1] =	wrdreg $0xFFFFFFFF  }
0xa4: {  	s23 =	simm.s32 $_size_execute0_lowered;
	s3 =	sadd.s32 s1, s3;
	[dreg:$0x0] =	wrdreg $0x0  }
0xa5: {  	s4 =	sshll.u32 s23, $0x1;
	[dreg:$0x2] =	wrdreg s3  }
0xa6: {  	[dreg:$0x3] =	wrdreg s4  }
0xa7: {  	[dreg:$0x4] =	wrdreg $0xC0  }
0xa8: {  	s24 =	simm.s32 $execute1_lowered;
	_ =	task [dreg:s18], $0x5FFFF  }
0xa9: {  	s3 =	sshll.u32 s24, $0x1;
	[dreg:$0x1] =	wrdreg $0xFFFFFFFF  }
0xaa: {  	s1 =	sadd.s32 s1, s3;
	[dreg:$0x0] =	wrdreg $0x60  }
0xab: {  	[dreg:$0x2] =	wrdreg s1  }
0xac: {  	[dreg:$0x3] =	wrdreg s20  }
0xad: {  	[dreg:$0x4] =	wrdreg $0x9  }
0xae: {  	_ =	task.clear_ibuf [dreg:s18], $0x5FFFF;
	_ =	strace $0x90000046  }
0xaf: {  	s25 =	simm.s32 $0x9;
	_ =	strace $0x80000048  }
0xb0: {  	_ =	swait.ge [sflag:s25], $0x1  }
0xb1: {  	[sflag:s25] =	ssyncadd.s32 $0xFFFFFFFF  }
0xb2: {  	_ =	strace $0x90000048  }
0xb3: {  	_ =	strace $0x80000049;
	[dreg:$0x1] =	wrdreg $0xFFFFFFFF  }
0xb4: {  	[dreg:$0x0] =	wrdreg $0x2030  }
0xb5: {  	[dreg:$0x2] =	wrdreg s20  }
0xb6: {  	[dreg:$0x3] =	wrdreg $0xA  }
0xb7: {  	_ =	task.clear_ibuf [dreg:s18], $0x4FFFF;
	_ =	strace $0x90000049  }
0xb8: {  	s26 =	simm.s32 $0xA;
	_ =	strace $0x8000004B  }
0xb9: {  	_ =	swait.ge [sflag:s26], $0x1  }
0xba: {  	[sflag:s26] =	ssyncadd.s32 $0xFFFFFFFF  }
0xbb: {  	_ =	strace $0x9000004B  }
0xbc: {  	_ =	sfence  }
0xbd: {  	s28 =	sld [smem:$0x0];
	_ =	sdelay $0x1  }
0xbe: {  	s29 =	srdreg.scid  }
0xbf: {  	s30 =	sshll.u32 s29, $0xD;
	s31 =	sshrl.u32 s29, $0x2  }
0xc0: {  	s2 =	sand.u32 $0x1, s29;
	s3 =	sand.u32 $0x4000, s30;
	s1 =	sadd.s32 s31, s28  }
0xc1: {  	s2 =	sor.u32 s3, s2;
	s1 =	sshll.u32 s1, $0x11  }
0xc2: {  	s1 =	sor.u32 s1, s2  }
0xc3: {  	s1 =	sadd.s32 $0x8F2B, s1  }
0xc4: {  	[sflag:s1] =	ssyncadd.remote.s32 $0x1  }
0xc5: {  	_ =	sfence.sel $0xFFFF  }
0xc6: {  	[dreg:$0x0] =	wrdreg $0xFFFFFFFF;
	(pc) =	sbr.abs _section_cstart, $3  }
0xc7: {  	[dreg:$0x1] =	wrdreg $0xFFFFFFFF  }
0xc8: {  	_ =	task.clear_ibuf [dreg:s18], $0x2FFFF;
	_ =	strace $0x9FFFFFFF  }
0xc9: {  	(tm) =	ssettm $0x7FFFFFFF  }
tec
execute0_lowered:
.L_overlay_start_1:
0x0: {  	(tag) =	ssettag $0x1  }
0x1: {  	s2 =	rddreg [dreg:$0x0]  }
0x2: {  	s4 =	rddreg [dreg:$0x1]  }
0x3: {  	s0 =	rddreg [dreg:$0x2];
	s3 =	stileid.u32  }
0x4: {  	[bflag:$0x3] =	sbarrier.arrive $0xFFFF;
	s1 =	simm.s32 $_size_execute1_lowered;
	p0 =	sne.s32 s3, $0x0  }
0x5: {  	s1 =	sshll.u32 s1, $0x1;
	s5 =	simm.s32 @!p0 $0x1C3F;
	s6 =	simm.s32 @!p0 $0x4060  }
0x6: {  	[timem:s6], [sflag:s5] =	dma.local @!p0 [hbm:s2], s1  }
0x7: {  	s2 =	smul.u32 $0x280, s3  }
.Ltmp0:
0x8: {  	s31 =	simm.s32 $0x2;
	s7 =	simm.s32 $0x280;
	(pc) =	sbr.rel .LBB2_1-.Ltmp0, $4  }
0x9: {  	s8 =	simm.s32 $0x780;
	s10 =	simm.s32 $0x0;
	s9 =	simm.s32 $0x0  }
0xa: {  	s3 =	simm.s32 $0x1;
	_ =	strace $0x80000047;
	s30 =	sshrl.u32 s2, $0x3  }
0xb: {  	s6 =	simm.s32 $0x0;
	[sflag:s3] =	ssyncpa.u1 $0x0;
	s5 =	sadd.s32 s30, s4  }
0xc: {  	s4 =	sadd.s32 $0x53200, s4;
	[sflag:s31] =	ssyncpa.u1 $0x0;
	s5 =	sadd.s32 $0x52C00, s5  }
.LBB2_8:
0xd: {  	p1 =	seq.s32 s9, $0x2  }
.Ltmp1:
0xe: {  	_ = 	snop;
	(pc) =	sbr.rel @p1 .LBB2_10-.Ltmp1, $1  }
0xf: {  	_ =	sdelay $0x3  }
.LBB2_9:
0x10: {  	s9 =	sadd.s32 $0x1, s9;
	s10 =	smov.u32 s2  }
.LBB2_1:
0x11: {  	p1 =	sne.s32 s9, $0x0  }
.Ltmp2:
0x12: {  	_ = 	snop;
	(pc) =	sbr.rel @!p1 .LBB2_2-.Ltmp2, $1  }
0x13: {  	_ =	sdelay $0x3  }
0x14: {  	s11 =	sand.u32 $0x1, s9  }
0x15: {  	p1 =	seq.s32 s11, $0x0  }
.Ltmp3:
0x16: {  	_ = 	snop;
	(pc) =	sbr.rel @p1 .LBB2_8-.Ltmp3, $1  }
0x17: {  	_ =	sdelay $0x3  }
0x18: {  	_ =	swait.ge [sflag:s3], $0x280  }
0x19: {  	[sflag:s3] =	ssyncset.done $0x0  }
0x1a: {  	s11 =	simm.s32 $0x0;
	p1 =	por $0x1, $0x1;
	[sflag:s3] =	ssyncadd.s32 $0xFFFFFD80  }
.LBB2_5:
0x1b: {  	v0 =	vld [tilespmem:s11+$0x280]  }
0x1c: {  	v1 =	vld [tilespmem:s11+$0x290]  }
0x1d: {  	v2 =	vld [tilespmem:s11+$0x2A0]  }
0x1e: {  	v3 =	vld [tilespmem:s11+$0x2B0]  }
0x1f: {  	v4 =	vld [tilespmem:s11+$0x2C0]  }
0x20: {  	v53 =	vld [tilespmem:s11+$0x2D0];
	[tilespmem:s11+$0x780] =	vst v0  }
0x21: {  	v54 =	vld [tilespmem:s11+$0x2E0];
	[tilespmem:s11+$0x790] =	vst v1  }
0x22: {  	v55 =	vld [tilespmem:s11+$0x2F0];
	[tilespmem:s11+$0x7A0] =	vst v2  }
0x23: {  	v56 =	vld [tilespmem:s11+$0x300];
	[tilespmem:s11+$0x7B0] =	vst v3  }
0x24: {  	v57 =	vld [tilespmem:s11+$0x310];
	[tilespmem:s11+$0x7C0] =	vst v4  }
0x25: {  	v58 =	vld [tilespmem:s11+$0x320];
	[tilespmem:s11+$0x7D0] =	vst v53  }
0x26: {  	v59 =	vld [tilespmem:s11+$0x330];
	[tilespmem:s11+$0x7E0] =	vst v54  }
0x27: {  	v60 =	vld [tilespmem:s11+$0x340];
	[tilespmem:s11+$0x7F0] =	vst v55  }
0x28: {  	v61 =	vld [tilespmem:s11+$0x350];
	[tilespmem:s11+$0x800] =	vst v56  }
0x29: {  	v62 =	vld [tilespmem:s11+$0x360];
	[tilespmem:s11+$0x810] =	vst v57  }
0x2a: {  	v63 =	vld [tilespmem:s11+$0x370];
	p2 =	por p1, p1;
	[tilespmem:s11+$0x820] =	vst v58  }
.Ltmp4:
0x2b: {  	[tilespmem:s11+$0x830] =	vst v59;
	(pc) =	sbr.rel @p2 .LBB2_5-.Ltmp4, $4  }
0x2c: {  	[tilespmem:s11+$0x840] =	vst v60  }
0x2d: {  	[tilespmem:s11+$0x850] =	vst v61  }
0x2e: {  	s12 =	simm.s32 $0x1F0;
	s13 =	simm.s32 $0x980;
	[tilespmem:s11+$0x860] =	vst v62  }
0x2f: {  	s14 =	simm.s32 $0x480;
	p1 =	por $0x0, $0x0;
	[tilespmem:s11+$0x870] =	vst v63;
	s11 =	simm.s32 $0x100  }
.LBB2_6:
0x30: {  	s12 =	sadd.s32 $0x10, s12  }
0x31: {  	v0 =	vld [tilespmem:s14+$0x0];
	p1 =	slt.u32 s12, $0x270  }
.Ltmp5:
0x32: {  	_ = 	snop;
	(pc) =	sbr.rel @p1 .LBB2_6-.Ltmp5, $2  }
0x33: {  	_ =	sdelay $0x2  }
0x34: {  	s14 =	sadd.s32 $0x10, s14;
	[tilespmem:s13+$0x0] =	vst v0;
	s13 =	sadd.s32 $0x10, s13  }
.Ltmp6:
0x35: {  	(pc) =	sbr.rel .LBB2_8-.Ltmp6, $4  }
0x36: {  	_ = 	snop  }
0x37: {  	s10 =	sshrl.u32 s10, $0x3  }
0x38: {  	s10 =	sadd.s32 s4, s10  }
0x39: {  	[hbm4b:s10+s6] =	stream.linear.scatter [tilespmem:s8], [sflag:$0x2], $0x280, $0x38;
	[tilespmem:$0xA00] =	vst v63  }
.LBB2_2:
.Ltmp7:
0x3a: {  	(pc) =	sbr.rel .LBB2_9-.Ltmp7, $2  }
0x3b: {  	_ =	sdelay $0x2  }
0x3c: {  	[tilespmem:s7], [sflag:$0x1] =	stream.linear.gather [hbm4b:s5+s6], $0x280, $0x38;
	[tilespmem:$0xA00] =	vst v63  }
.LBB2_10:
0x3d: {  	s2 =	simm.s32 $0x2  }
0x3e: {  	_ =	swait.ge [sflag:s2], $0x280  }
0x3f: {  	[sflag:s2] =	ssyncset.done $0x0  }
0x40: {  	[sflag:s2] =	ssyncadd.s32 $0xFFFFFD80  }
0x41: {  	_ =	sfence.sel $0x180000  }
0x42: {  	s3 =	simm.s32 $0x1;
	[bflag:$0x0] =	sbarrier.arrive $0xFFFF  }
0x43: {  	[sflag:s3] =	ssyncpa.u1 $0x1  }
0x44: {  	[sflag:s2] =	ssyncpa.u1 $0x1  }
0x45: {  	_ =	strace $0x90000047  }
0x46: {  	s0 =	sadd.s32 @!p0 $0x100000, s0;
	[bflag:$0x2] =	sbarrier.arrive $0xFFFF  }
0x47: {  	[sflag:s0] =	ssyncadd.tile.s32 @!p0 $0x1;
	s0 =	simm.s32 @!p0 $0x3F  }
0x48: {  	_ =	swait.ge @!p0 [sflag:s0], s1  }
0x49: {  	s1 =	ssub.s32 @!p0 $0x0, s1;
	[sflag:s0] =	ssyncset.done @!p0 $0x0  }
0x4a: {  	[sflag:s0] =	ssyncadd.s32 @!p0 s1  }
0x4b: {  	[bflag:$0x3] =	sbarrier.arrive $0xFFFF  }
0x4c: {  	_ =	shalt  }
.Lfunc_end2:
execute1_lowered:
.L_overlay_start_2:
0x4d: {  	(tag) =	ssettag $0x2  }
0x4e: {  	s0 =	rddreg [dreg:$0x0]  }
0x4f: {  	s14 =	stileid.u32;
	_ =	strace $0x8000004A;
	s2 =	simm.s32 $0x1  }
0x50: {  	v1 =	vimm.s32 $0xFFFFFFFF;
	s1 =	smin.u32 s14, $0x4;
	[sflag:s2] =	ssyncpa.u1 $0x0  }
0x51: {  	s1 =	sadd.s32 s14, s1;
	[tilespmem:$0x10] =	vst v1  }
0x52: {  	v0 =	vimm.f32 $0.0e+00;
	p0 =	slt.u32 s14, $0x4;
	[tilespmem:$0x20] =	vst v1;
	s3 =	smul.u32 $0x1F40, s1;
	s1 =	simm.s32 $0x3E80  }
0x53: {  	[tilespmem:$0x30] =	vst v0;
	s1 =	simm.s32 @!p0 $0x1F40  }
0x54: {  	[tilespmem:$0x40] =	vst v0;
	s1 =	sadd.s32 s1, s3  }
0x55: {  	[tilespmem:$0x50] =	vst v0;
	s4 =	smin.u32 s1, $0x27100  }
0x56: {  	[tilespmem:$0x60] =	vst v1;
	s9 =	ssub.s32 s4, s3  }
0x57: {  	s7 =	simm.s32 $0x2;
	s8 =	simm.s32 $0x8;
	[tilespmem:$0x70] =	vst v1;
	p0 =	sgt.s32 s9, $0x0  }
0x58: {  	s31 =	simm.s32 $0x9;
	s16 =	simm.s32 $0x0;
	[tilespmem:$0x80] =	vst v1;
	s9 =	simm.s32 @!p0 $0x0  }
0x59: {  	s17 =	simm.s32 $0xF0;
	s18 =	simm.s32 $0xFFFFFFFF;
	v1 =	vimm.s32 $0x0;
	[tilespmem:$0xB0] =	vst v0;
	s5 =	smulhi.u32 $0x10624DD3, s9  }
0x5a: {  	s19 =	simm.s32 $0xFFFFC280;
	s20 =	simm.s32 $0xFFFFFFFE;
	s21 =	simm.s32 $0xF;
	[tilespmem:$0x90] =	vst v1  }
0x5b: {  	[tilespmem:$0xA0] =	vst v1;
	[sflag:s7] =	ssyncpa.u1 $0x0;
	s7 =	simm.s32 $0x7;
	s10 =	sshrl.u32 s5, $0x9  }
0x5c: {  	s25 =	simm.s32 $0x0;
	[sflag:s7] =	ssyncpa.u1 $0x0;
	s11 =	smul.u32 $0x1F40, s10  }
0x5d: {  	s24 =	simm.s32 $0x0;
	s6 =	sadd.s32 $0x43400, s0;
	[sflag:s8] =	ssyncpa.u1 $0x0  }
.Ltmp8:
0x5e: {  	s23 =	smov.u32 s3;
	p0 =	sne.s32 s9, s11;
	(pc) =	sbr.rel .LBB3_1-.Ltmp8, $4  }
0x5f: {  	s1 =	sadd.s32 $0x53200, s0;
	[sflag:s31] =	ssyncpa.u1 $0x0;
	s2 =	simm.s32 @!p0 $0x0  }
0x60: {  	s5 =	sadd.s32 $0x3E400, s0;
	p0 =	por $0x0, $0x0;
	s9 =	sadd.s32 s2, s10  }
0x61: {  	vm0 =	vmmov $0xffff;
	v2 =	vlaneseq.u32;
	s10 =	sshll.u32 s14, $0x1;
	s14 =	sshllo.u32 s14, $0x1;
	s11 =	sadd.s32 $0x1, s9  }
0x62: {  	vm1 =	vmxor vm1, vm1;
	vm2 =	vmmov $0x1;
	vm3 =	vcmask $0x3F3C;
	s12 =	sadd.s32 $0x2, s9;
	s13 =	sor.u32 $0x81, s10;
	s15 =	sor.u32 $0x80, s10  }
.LBB3_9:
0x63: {  	p1 =	slt.u32 s24, $0x3  }
0x64: {  	s0 =	simm.s32 @!p1 $0x2  }
0x65: {  	_ =	swait.ge @!p1 [sflag:s0], $0x1F40  }
0x66: {  	[sflag:s0] =	ssyncset.done @!p1 $0x0  }
0x67: {  	[sflag:s0] =	ssyncadd.s32 @!p1 $0xFFFFE0C0;
	s0 =	simm.s32 @!p1 $0x9  }
0x68: {  	_ =	swait.ge @!p1 [sflag:s0], $0x10  }
0x69: {  	[sflag:s0] =	ssyncset.done @!p1 $0x0  }
0x6a: {  	[sflag:s0] =	ssyncadd.s32 @!p1 $0xFFFFFFF0;
	p1 =	sne.s32 s24, s12  }
.Ltmp9:
0x6b: {  	s2 =	sadd.s32 $0x1F40, s23;
	(pc) =	sbr.rel @!p1 .LBB3_10-.Ltmp9, $4  }
0x6c: {  	s22 =	smov.u32 s3;
	s31 =	sadd.s32 $0x1, s24;
	s17 =	sadd.s32 $0x1F40, s17  }
0x6d: {  	s18 =	sadd.s32 $0x1, s18;
	s25 =	smov.u32 s23;
	p2 =	slt.s32 s2, s4  }
0x6e: {  	p0 =	por !p0, !p0;
	s19 =	sadd.s32 $0x1F40, s19;
	s22 =	smov.u32 @p2 s2  }
0x6f: {  	s20 =	sadd.s32 $0x1, s20;
	s23 =	smov.u32 s22;
	s24 =	smov.u32 s31  }
.LBB3_1:
0x70: {  	p1 =	sge.u32 s24, s9  }
0x71: {  	s0 =	smulhi.u32 @!p1 $0xAAAAAAAB, s24;
	_ =	sdelay $0x1  }
0x72: {  	s0 =	sshrl.u32 @!p1 s0, $0x1  }
0x73: {  	s0 =	smul.u32 @!p1 $0x3, s0;
	_ =	sdelay $0x1  }
0x74: {  	s0 =	ssub.s32 @!p1 s24, s0  }
0x75: {  	s0 =	smul.u32 @!p1 $0x7D00, s0;
	_ =	sdelay $0x1  }
0x76: {  	s2 =	sshrl.u32 @!p1 s23, $0x3;
	s0 =	sshrl.u32 @!p1 s0, $0x2  }
0x77: {  	s22 =	sand.u32 @!p1 $0x7, s23;
	s2 =	sadd.s32 @!p1 s5, s2;
	s0 =	sadd.s32 @!p1 $0x100, s0  }
0x78: {  	[tilespmem:s0], [sflag:$0x7] =	stream.linear.gather @!p1 [hbm4b:s2+s22], $0x1F40, $0x38;
	[tilespmem:$0x11A60] =	vst v63  }
0x79: {  	s0 =	sadd.s32 $0xFFFFFFFF, s24  }
0x7a: {  	p1 =	sge.u32 s0, s9  }
.Ltmp10:
0x7b: {  	_ = 	snop;
	(pc) =	sbr.rel @p1 .LBB3_5-.Ltmp10, $1  }
0x7c: {  	_ =	sdelay $0x3  }
0x7d: {  	s2 =	smulhi.u32 $0xAAAAAAAB, s0;
	_ =	sdelay $0x1  }
0x7e: {  	s2 =	sshrl.u32 s2, $0x1  }
0x7f: {  	s2 =	smul.u32 $0x3, s2;
	_ =	sdelay $0x1  }
0x80: {  	s2 =	ssub.s32 s0, s2  }
0x81: {  	s2 =	smul.u32 $0x7D00, s2  }
0x82: {  	_ =	swait.ge [sflag:s7], $0x1F40  }
0x83: {  	[sflag:s7] =	ssyncset.done $0x0;
	s2 =	sshrl.u32 s2, $0x2  }
0x84: {  	[sflag:s7] =	ssyncadd.s32 $0xFFFFE0C0;
	(ifvalue) =	ssetifvalue $0xFFFFFFFF;
	v3 =	vld.msk [tilespmem:s2+$0x100 ss:$0x1], $0xffff;
	_ =	sdelay $0x2  }
0x85: {  	s30 =	smulhi.u32 $0xAAAAAAAB, s18;
	p1 =	sne.s32 s24, $0x1  }
0x86: {  	v4 =	vimm.s32 @!p1 $0x0  }
0x87: {  	s2 =	sshrl.u32 s30, $0x1;
	v4 =	vperm.xlane @!p1 v3, v4  }
0x88: {  	s22 =	sshll.u32 s24, $0x4;
	s2 =	smul.u32 $0xFFFE8900, s2;
	vm4 =	vlt.u32 v3, $0x2800  }
0x89: {  	s22 =	sand.u32 $0x10, s22;
	v3 =	vnsel vm4, $0xFFFFFFFE, v3;
	vm4 =	vlt.u32 @!p1 v4, $0x2800  }
0x8a: {  	s2 =	sshra.s32 s2, $0x2;
	[tilespmem:s22+$0x60] =	vst v3;
	v3 =	vnsel @!p1 vm4, $0xFFFFFFFE, v4  }
0x8b: {  	s28 =	sadd.s32 s2, s17;
	[tilespmem:$0x80] =	vst @!p1 v3  }
0x8c: {  	v3 =	vld.msk [tilespmem:s28+$0x0 ss:$0x1], $0xffff;
	_ =	sdelay $0x4  }
0x8d: {  	(xrf1) =	vunique.msk.u32 $0xffff, v3;
	_ =	sdelay $0xd  }
0x8e: {  	v4 =	vimm.s32 $0xFFFFFFFF;
	v5, _, _ =	vpop (xrf1)  }
0x8f: {  	vm5 =	vne.s32 v3, v4;
	vm4 =	veq.s32 v5, v2  }
0x90: {  	vm6 =	vlt.u32 v3, $0x2800;
	vm4 =	vmand vm5, vm4  }
0x91: {  	vm4 =	vmand vm6, vm4  }
0x92: {  	v4 =	vnsel vm4, $0xFFFFFFFF, v3  }
0x93: {  	s31 =	sand.u32 $0x1, s0  }
0x94: {  	s0 =	simm.s32 $0x1F40;
	p1 =	seq.s32 s31, $0x1  }
0x95: {  	s0 =	simm.s32 @!p1 $0x0  }
0x96: {  	s26 =	sadd.s32 $0x7DF0, s0;
	(ifvalue) =	ssetifvalue $0xFFFFFFFF  }
0x97: {  	v3 =	vperm.xlane v3, v1;
	[tilespmem:s26], [sflag:$0x8] =	stream.indirect_vreg.gather [hbm4b:s1+s16], $0x1, v4, vm0, $0x4038;
	v4 =	vnsel vm6, $0xFFFFFFFE, v4;
	[tilespmem:$0x11A60] =	vst v63  }
0x98: {  	s2 =	simm.s32 $0x0;
	s22 =	sadd.s32 $0xFFFFFFF0, s28;
	[tilespmem:s28+$0x0] =	vst v4  }
.LBB3_3:
0x99: {  	v4 =	vld.msk [tilespmem:s22+$0x0 ss:$0x1], $0xffff;
	s2 =	sadd.s32 $0x10, s2;
	v5 =	vmov v3;
	s28 =	smov.u32 s22  }
0x9a: {  	p1 =	slt.u32 s2, $0x1F30;
	_ =	sdelay $0x4  }
0x9b: {  	v3 =	vperm.xlane v4, v1;
	(xrf1) =	vunique.msk.u32 $0xffff, v4;
	_ =	sdelay $0xd  }
0x9c: {  	v6, _, _ =	vpop (xrf1)  }
0x9d: {  	vm5 =	vne.s32 v4, v5;
	vm4 =	veq.s32 v6, v2  }
0x9e: {  	vm6 =	vlt.u32 v4, $0x2800;
	vm4 =	vmand vm5, vm4  }
0x9f: {  	vm4 =	vmand vm6, vm4  }
0xa0: {  	v4 =	vnsel vm4, $0xFFFFFFFF, v4  }
.Ltmp11:
0xa1: {  	v5 =	vnsel vm6, $0xFFFFFFFE, v4;
	(pc) =	sbr.rel @p1 .LBB3_3-.Ltmp11, $3  }
0xa2: {  	_ =	sdelay $0x1  }
0xa3: {  	s22 =	sadd.s32 $0xFFFFFFF0, s22;
	s26 =	sadd.s32 $0xFFFFFFF0, s26;
	(ifvalue) =	ssetifvalue $0xFFFFFFFF  }
0xa4: {  	[tilespmem:s26], [sflag:$0x8] =	stream.indirect_vreg.gather [hbm4b:s1+s16], $0x1, v4, vm0, $0x4038;
	[tilespmem:s28+$0x0] =	vst v5  }
0xa5: {  	s2 =	sshrl.u32 s25, $0x3  }
0xa6: {  	s0 =	sadd.s32 $0x9D40, s0;
	s2 =	sadd.s32 s6, s2  }
0xa7: {  	[tilespmem:s0], [sflag:$0x8] =	stream.linear.gather [hbm:s2], $0x1F40, $0x38;
	[tilespmem:$0x11A60] =	vst v63  }
.LBB3_5:
0xa8: {  	p1 =	slt.u32 s24, $0x2  }
0xa9: {  	p2 =	sge.u32 @!p1 s24, s12  }
0xaa: {  	p1 =	por p1, p2  }
.Ltmp12:
0xab: {  	_ = 	snop;
	(pc) =	sbr.rel @p1 .LBB3_9-.Ltmp12, $1  }
0xac: {  	_ =	sdelay $0x3  }
0xad: {  	s0 =	sadd.s32 $0xFFFFFFFE, s24  }
0xae: {  	s2 =	smulhi.u32 $0xAAAAAAAB, s0;
	_ =	sdelay $0x1  }
0xaf: {  	s2 =	sshrl.u32 s2, $0x1  }
0xb0: {  	s2 =	smul.u32 $0x3, s2;
	_ =	sdelay $0x1  }
0xb1: {  	s0 =	ssub.s32 s0, s2  }
0xb2: {  	_ =	swait.ge [sflag:s8], $0x3E80;
	s0 =	smul.u32 $0x1F40, s0  }
0xb3: {  	p1 =	sne.s32 s24, s11;
	[sflag:s8] =	ssyncset.done $0x0  }
0xb4: {  	[sflag:s8] =	ssyncadd.s32 $0xFFFFC180;
	s2 =	sadd.s32 @!p1 $0x203F, s0  }
0xb5: {  	[spmem:s13] =	stream.linear.scatter @!p1 [tilespmem:s2], [sflag:$0x1], $0x1, $0x38;
	[tilespmem:$0x11A60] =	vst v63  }
0xb6: {  	s2 =	simm.s32 @!p1 $0x1  }
0xb7: {  	_ =	swait.ge @!p1 [sflag:s2], $0x1  }
0xb8: {  	s22 =	sshll.u32 s24, $0x4;
	[sflag:s2] =	ssyncset.done @!p1 $0x0  }
0xb9: {  	s25 =	sand.u32 $0x10, s22;
	[sflag:s2] =	ssyncadd.s32 @!p1 $0xFFFFFFFF  }
0xba: {  	s2 =	sxor.u32 $0x10, s25;
	v4 =	vld [tilespmem:s25+$0x10]  }
0xbb: {  	v5 =	vld [tilespmem:s2+$0x60]  }
0xbc: {  	v3 =	vld [tilespmem:$0x80];
	_ =	sdelay $0x2  }
0xbd: {  	(v2sf) =	vpush v4, $0x0  }
0xbe: {  	(v2sf) =	vpush v5, $0x0  }
0xbf: {  	(v2sf) =	vpush v3, $0x0;
	_ =	sdelay $0xc  }
0xc0: {  	s22 =	spop (v2sf)  }
0xc1: {  	s26 =	spop (v2sf)  }
0xc2: {  	s28 =	spop (v2sf)  }
0xc3: {  	p2 =	seq.s32 s22, s26;
	p3 =	seq.s32 s28, s22  }
0xc4: {  	p3 =	por p2, p3  }
0xc5: {  	s26 =	sand.u32 $0x1, s24;
	v4 =	vpsel p3, $0xFFFFFFFF, v4  }
0xc6: {  	s29 =	smul.u32 $0x1F40, s26;
	[tilespmem:s25+$0x10] =	vst.msk $0x1, v4  }
0xc7: {  	v4 =	vld [tilespmem:$0x30]  }
0xc8: {  	v5 =	vld [tilespmem:s29+$0x9D40]  }
0xc9: {  	v6 =	vld [tilespmem:s25+$0x40];
	_ =	sdelay $0x3  }
0xca: {  	vm4 =	vmmov vm1;
	v5 =	vadd.f32 v5, v4  }
0xcb: {  	vm5 =	vmmov vm2;
	vm4 =	vmmov @p2 vm2;
	s22 =	sshll.u32 s26, $0x4;
	v4 =	vadd.f32 v6, v4  }
0xcc: {  	s26 =	sor.u32 $0x11A40, s22;
	vm5 =	vmmov @p3 vm1;
	[tilespmem:s29+$0x9D40] =	vst.msk vm4, v5  }
0xcd: {  	[tilespmem:s26+$0x0] =	vst.msk vm5, v4  }
0xce: {  	v4 =	vld [tilespmem:s29+$0x7DF0];
	_ =	sdelay $0x3  }
0xcf: {  	v5 =	vimm.f32 $0.0e+00  }
0xd0: {  	v4 =	vshift.insert v4, v5, s21  }
0xd1: {  	s22 =	sor.u32 $0x40, s2  }
0xd2: {  	[tilespmem:s22+$0x0] =	vst.msk $0x1, v4  }
0xd3: {  	[tilespmem:s29+$0x7DFF] =	vst.msk $0x1, v5  }
0xd4: {  	v4 =	vld [tilespmem:s0+$0x2030];
	_ =	sdelay $0x1  }
0xd5: {  	s22 =	smulhi.u32 $0xAAAAAAAB, s20;
	s0 =	simm.s32 $0x1  }
0xd6: {  	s0 =	simm.s32 @!p0 $0x0  }
0xd7: {  	s22 =	sshrl.u32 s22, $0x1;
	s0 =	smul.u32 $0x7D00, s0  }
0xd8: {  	s22 =	smul.u32 $0xFFFE8900, s22;
	v4 =	vshift.insert v4, v1, s21  }
0xd9: {  	s0 =	sshrl.u32 s0, $0x2  }
0xda: {  	s22 =	sshra.s32 s22, $0x2;
	s30 =	sadd.s32 $0x9D40, s0;
	[tilespmem:s2+$0x10] =	vst.msk $0x1, v4  }
0xdb: {  	s22 =	sadd.s32 s22, s19;
	v6 =	vld [tilespmem:s30+$0x0]  }
0xdc: {  	v7 =	vld [tilespmem:s22+$0x0];
	_ =	sdelay $0x3  }
0xdd: {  	v5 =	vadd.f32 v6, v5  }
0xde: {  	vm4 =	vne.s32 v7, $0xFFFFFFFF  }
0xdf: {  	(xrf2) =	vadd.seg.scan.f32 vm4, v5;
	_ =	sdelay $0x3  }
0xe0: {  	s31 =	sadd.s32 $0x5EC0, s0;
	v5 =	vperm.xlane v4, v1  }
0xe1: {  	v6 =	vld [tilespmem:s31+$0x0]  }
0xe2: {  	vm5 =	veq.s32 v7, v3;
	vm6 =	veq.s32 v7, v5  }
0xe3: {  	vm7 =	vgt.u32 v7, $0xFFFFFFFD;
	vm6 =	vmor vm6, vm5  }
0xe4: {  	vm6 =	vmor vm6, vm7  }
0xe5: {  	v9 =	vld [tilespmem:$0xA0];
	v7 =	vsel vm6, $0xFFFFFFFF, v7  }
0xe6: {  	v10 =	vld [tilespmem:$0x90];
	v6 =	vsel vm5, $0x0, v6;
	v8, _, _ =	vpop (xrf2)  }
0xe7: {  	v6 =	vadd.f32 v8, v6  }
0xe8: {  	s0 =	sadd.s32 $0xDBC0, s0  }
0xe9: {  	vm4 =	vmand vm4, vm3;
	[tilespmem:s0+$0x0] =	vst v6;
	(ifvalue) =	ssetifvalue $0xFFFFFFFF  }
0xea: {  	vm6 =	veq.s32 v9, $0x1;
	[hbm4b:s1+s16] =	stream.indirect_vreg.scatter [tilespmem:s0], [sflag:$0x2], $0x1, v7, vm0, $0x4038;
	v7 =	vsel vm4, $0x0, v8;
	[tilespmem:$0x11A60] =	vst v63  }
0xeb: {  	s2 =	simm.s32 $0x0;
	s22 =	sadd.s32 $0x10, s22;
	vm4 =	vmor vm6, vm5;
	v6 =	vsel vm5, v8, v10;
	v7 =	vshift.insert v7, v0, s21  }
.LBB3_7:
0xec: {  	v8 =	vld [tilespmem:s22+$0x0];
	s30 =	sadd.s32 $0x10, s30  }
0xed: {  	s31 =	sadd.s32 $0x10, s31;
	v9 =	vld [tilespmem:s30+$0x0]  }
0xee: {  	s2 =	sadd.s32 $0x10, s2;
	v10 =	vld [tilespmem:s31+$0x0]  }
0xef: {  	p2 =	slt.u32 s2, $0x1F30;
	_ =	sdelay $0x2  }
0xf0: {  	v7 =	vadd.f32 v9, v7  }
0xf1: {  	vm5 =	vne.s32 v8, $0xFFFFFFFF  }
0xf2: {  	vm6 =	vmand vm5, vm3;
	(xrf2) =	vadd.seg.scan.f32 vm5, v7;
	_ =	sdelay $0x5  }
0xf3: {  	vm7 =	veq.s32 v8, v5;
	vm5 =	veq.s32 v8, v3  }
0xf4: {  	vm8 =	vgt.u32 v8, $0xFFFFFFFD;
	vm4 =	vmor vm4, vm5;
	vm7 =	vmor vm7, vm5  }
0xf5: {  	vm7 =	vmor vm7, vm8  }
0xf6: {  	v8 =	vsel vm7, $0xFFFFFFFF, v8  }
.Ltmp13:
0xf7: {  	v7 =	vsel vm5, $0x0, v10;
	v9, _, _ =	vpop (xrf2);
	(pc) =	sbr.rel @p2 .LBB3_7-.Ltmp13, $4  }
0xf8: {  	v6 =	vsel vm5, v9, v6;
	v10 =	vadd.f32 v9, v7;
	v7 =	vsel vm6, $0x0, v9  }
0xf9: {  	s0 =	sadd.s32 $0x10, s0;
	v7 =	vshift.insert v7, v0, s21  }
0xfa: {  	s22 =	sadd.s32 $0x10, s22;
	[tilespmem:s0+$0x0] =	vst v10;
	(ifvalue) =	ssetifvalue $0xFFFFFFFF  }
0xfb: {  	[hbm4b:s1+s16] =	stream.indirect_vreg.scatter [tilespmem:s0], [sflag:$0x2], $0x1, v8, vm0, $0x4038;
	[tilespmem:$0x11A60] =	vst v63  }
0xfc: {  	v3 =	vld [tilespmem:s29+$0xFAF0];
	_ =	sdelay $0x4  }
0xfd: {  	v3 =	vshift.insert v3, v0, s21  }
0xfe: {  	s0 =	simm.s32 $0x30  }
0xff: {  	[tilespmem:s0+$0x0] =	vst.msk $0x1, v3  }
0x100: {  	v3 =	vsel vm4, $0x1, v1;
	[tilespmem:$0x90] =	vst v6  }
0x101: {  	s0 =	sadd.s32 @!p1 $0xFAFF, s29;
	[tilespmem:$0xA0] =	vst v3  }
0x102: {  	[spmem:s14] =	stream.linear.scatter @!p1 [tilespmem:s0], [sflag:$0x1], $0x1, $0x38;
	[tilespmem:$0x11A60] =	vst v63  }
0x103: {  	s0 =	simm.s32 @!p1 $0x1  }
0x104: {  	v3 =	vmctz.xlane @!p1 vm4;
	_ =	swait.ge @!p1 [sflag:s0], $0x1  }
0x105: {  	(v2sf) =	vpush @!p1 v4, $0x0  }
0x106: {  	(v2sf) =	vpush @!p1 v3, $0x0;
	_ =	sdelay $0xd  }
0x107: {  	s2 =	spop @!p1 (v2sf)  }
0x108: {  	s22 =	spop @!p1 (v2sf)  }
0x109: {  	p2 =	sne.s32 @!p1 s28, s2;
	p3 =	slt.s32 @!p1 s22, $0xF  }
0x10a: {  	[sflag:s0] =	ssyncset.done @!p1 $0x0;
	p2 =	por p2, p1;
	p3 =	por !p3, p1  }
0x10b: {  	[sflag:s0] =	ssyncadd.s32 @!p1 $0xFFFFFFFF;
	v3 =	vimm.s32 @!p2 $0xFFFFFFFF;
	s22 =	simm.s32 @p3 $0xF  }
0x10c: {  	[tilespmem:$0x80] =	vst @!p2 v3;
	s2 =	sadd.s32 @!p1 $0x90, s22  }
0x10d: {  	[spmem:s10] =	stream.linear.scatter @!p1 [tilespmem:s2], [sflag:$0x1], $0x1, $0x38;
	[tilespmem:$0x11A60] =	vst v63  }
0x10e: {  	_ =	swait.ge @!p1 [sflag:s0], $0x1  }
0x10f: {  	[sflag:s0] =	ssyncset.done @!p1 $0x0  }
0x110: {  	s2 =	simm.s32 @!p1 $0x80;
	[sflag:s0] =	ssyncadd.s32 @!p1 $0xFFFFFFFF  }
0x111: {  	[spmem:s15] =	stream.linear.scatter @!p1 [tilespmem:s2], [sflag:$0x1], $0x1, $0x38;
	[tilespmem:$0x11A60] =	vst v63  }
0x112: {  	_ =	swait.ge @!p1 [sflag:s0], $0x1  }
0x113: {  	[sflag:s0] =	ssyncset.done @!p1 $0x0  }
0x114: {  	[sflag:s0] =	ssyncadd.s32 @!p1 $0xFFFFFFFF;
	(ifvalue) =	ssetifvalue $0xFFFFFFFF;
	v3 =	vld [tilespmem:s25+$0x10];
	_ =	sdelay $0x3  }
.Ltmp14:
0x115: {  	_ = 	snop;
	(pc) =	sbr.rel .LBB3_9-.Ltmp14, $3  }
0x116: {  	_ =	sdelay $0x1  }
0x117: {  	(ifvalue) =	ssetifvalue $0xFFFFFFFF  }
0x118: {  	[hbm4b:s1+s16] =	stream.indirect_vreg.scatter [tilespmem:s26], [sflag:$0x9], $0x1, v3, vm0, $0x4038;
	[tilespmem:$0x11A60] =	vst v63  }
.LBB3_10:
0x119: {  	_ =	sfence.sel $0x180000  }
0x11a: {  	s0 =	simm.s32 $0x7;
	[bflag:$0x0] =	sbarrier.arrive $0xFFFF  }
0x11b: {  	s26 =	simm.s32 $0x8;
	[sflag:s0] =	ssyncpa.u1 $0x1  }
0x11c: {  	s28 =	simm.s32 $0x9;
	[sflag:s26] =	ssyncpa.u1 $0x1  }
0x11d: {  	[sflag:s28] =	ssyncpa.u1 $0x1  }
0x11e: {  	_ =	sfence.stream.spmem  }
0x11f: {  	s29 =	simm.s32 $0x3;
	[bflag:$0x0] =	sbarrier.arrive $0xFFFF  }
0x120: {  	s30 =	simm.s32 $0x4;
	[sflag:s29] =	ssyncpa.u1 $0x1  }
0x121: {  	s31 =	simm.s32 $0x3C;
	s2 =	stileid.u32;
	[sflag:s30] =	ssyncpa.u1 $0x1  }
0x122: {  	p0 =	sne.s32 s2, $0x0;
	[sflag:s31] =	ssyncpa.u1 $0x1  }
0x123: {  	s0 =	simm.s32 @p0 $0x1;
	_ =	sfence @p0  }
0x124: {  	[sflag:s0] =	ssyncpa.u1 @p0 $0x1;
	s0 =	simm.s32 @p0 $0x2  }
0x125: {  	[sflag:s0] =	ssyncpa.u1 @p0 $0x1  }
0x126: {  	_ =	strace @p0 $0x9000004A  }
0x127: {  	[bflag:$0x2] =	sbarrier.arrive @p0 $0xFFFF  }
0x128: {  	_ =	shalt @p0  }
.LBB3_11:
0x129: {  	_ =	sfence.stream.spmem;
	s0 =	simm.s32 $0x5  }
0x12a: {  	s2 =	simm.s32 $0x80;
	s3 =	simm.s32 $0xC0;
	[sflag:s0] =	ssyncpa.u1 $0x0  }
0x12b: {  	[tilespmem:s3], [sflag:$0x5] =	stream.linear.gather [spmem:s2], $0x20, $0x38;
	[tilespmem:$0x11A60] =	vst v63  }
0x12c: {  	s2 =	simm.s32 $0x0;
	s3 =	simm.s32 $0xE0  }
0x12d: {  	[tilespmem:s3], [sflag:$0x5] =	stream.linear.gather [spmem:s2], $0x20, $0x38;
	[tilespmem:$0x11A60] =	vst v63  }
.Ltmp15:
0x12e: {  	_ = 	snop;
	(pc) =	sbr.rel .LBB3_12-.Ltmp15, $4  }
0x12f: {  	_ =	swait.ge [sflag:s0], $0x40  }
0x130: {  	[sflag:s0] =	ssyncset.done $0x0  }
0x131: {  	s31 =	simm.s32 $0x6;
	[sflag:s0] =	ssyncadd.s32 $0xFFFFFFC0  }
0x132: {  	s4 =	simm.s32 $0x0;
	[sflag:s31] =	ssyncpa.u1 $0x0  }
.LBB3_17:
0x133: {  	p0 =	sgt.u32 s5, $0x27FF  }
0x134: {  	s0 =	sshrl.u32 @!p0 s5, $0x3  }
0x135: {  	s5 =	sand.u32 @!p0 $0x7, s5;
	s6 =	simm.s32 @!p0 $0xB0;
	s0 =	sadd.s32 @!p0 s1, s0  }
0x136: {  	[tilespmem:s6], [sflag:$0x6] =	stream.linear.gather @!p0 [hbm4b:s0+s5], $0x1, $0x38;
	[tilespmem:$0x11A60] =	vst v63  }
0x137: {  	s0 =	simm.s32 @!p0 $0x6  }
0x138: {  	_ =	swait.ge @!p0 [sflag:s0], $0x1  }
0x139: {  	[sflag:s0] =	ssyncset.done @!p0 $0x0  }
0x13a: {  	[sflag:s0] =	ssyncadd.s32 @!p0 $0xFFFFFFFF  }
0x13b: {  	v2 =	vmov @!p0 s4;
	v1 =	vld.msk @!p0 [tilespmem:$0xB0], $0x1;
	_ =	sdelay $0x3  }
0x13c: {  	s0 =	simm.s32 @!p0 $0xE0  }
0x13d: {  	[tilespmem:v2+s0+$0x0], v1 =	vst.idx.ret.add.f32.msk @!p0 $0x1, v1  }
0x13e: {  	[tilespmem:s2+$0xC0] =	vst.msk $0x1, v0  }
0x13f: {  	v0 =	vld.msk [tilespmem:s4+$0xE0], $0x1;
	_ =	sdelay $0x4  }
0x140: {  	[tilespmem:s2+$0xE0] =	vst.msk $0x1, v0;
	s2 =	sadd.s32 $0x1, s2  }
.LBB3_19:
0x141: {  	s4 =	sadd.s32 $0x1, s4  }
0x142: {  	p0 =	sne.s32 s4, $0x20  }
.Ltmp16:
0x143: {  	_ = 	snop;
	(pc) =	sbr.rel @!p0 .LBB3_20-.Ltmp16, $1  }
0x144: {  	_ =	sdelay $0x3  }
.LBB3_12:
0x145: {  	v0 =	vld.msk [tilespmem:s4+$0xC0], $0x1;
	_ =	sdelay $0x4  }
0x146: {  	(v2sf) =	vpush v0, $0x0;
	_ =	sdelay $0xe  }
0x147: {  	s5 =	spop (v2sf)  }
0x148: {  	p0 =	seq.s32 s5, $0xFFFFFFFF  }
.Ltmp17:
0x149: {  	_ = 	snop;
	(pc) =	sbr.rel @p0 .LBB3_19-.Ltmp17, $1  }
0x14a: {  	_ =	sdelay $0x3  }
0x14b: {  	p0 =	slt.s32 s2, $0x1  }
.Ltmp18:
0x14c: {  	_ = 	snop;
	(pc) =	sbr.rel @p0 .LBB3_17-.Ltmp18, $1  }
0x14d: {  	_ =	sdelay $0x3  }
0x14e: {  	s0 =	simm.s32 $0xC0;
	p0 =	por $0x0, $0x0  }
0x14f: {  	v1 =	vld.msk @!p0 [tilespmem:s0+$0x0], $0x1;
	_ =	sdelay $0x4  }
0x150: {  	(v2sf) =	vpush @!p0 v1, $0x0;
	_ =	sdelay $0xd  }
0x151: {  	p2 =	sne.s32 s2, $0x1  }
.Ltmp19:
0x152: {  	s6 =	spop @!p0 (v2sf);
	(pc) =	sbr.rel @!p2 .LBB3_16-.Ltmp19, $4  }
0x153: {  	p1 =	seq.s32 @!p0 s5, s6  }
0x154: {  	s6 =	simm.s32 $0x0;
	p1 =	por !p1, p0  }
0x155: {  	s8 =	simm.s32 $0xFFFFFFFF;
	s6 =	simm.s32 @p1 $0xFFFFFFFF  }
0x156: {  	s7 =	simm.s32 $0x1;
	s6 =	smov.u32 @p0 s8  }
.LBB3_15:
0x157: {  	s8 =	smov.u32 s6;
	p0 =	sne.s32 s6, $0xFFFFFFFF  }
0x158: {  	s0 =	sadd.s32 $0x1, s0;
	s6 =	smov.u32 s7;
	s7 =	sadd.s32 $0x1, s7  }
0x159: {  	p1 =	sne.s32 s2, s7;
	v1 =	vld.msk @!p0 [tilespmem:s0+$0x0], $0x1;
	_ =	sdelay $0x4  }
0x15a: {  	(v2sf) =	vpush @!p0 v1, $0x0;
	_ =	sdelay $0xe  }
.Ltmp20:
0x15b: {  	s9 =	spop @!p0 (v2sf);
	(pc) =	sbr.rel @p1 .LBB3_15-.Ltmp20, $4  }
0x15c: {  	p2 =	seq.s32 @!p0 s5, s9  }
0x15d: {  	p2 =	por !p2, p0  }
0x15e: {  	s6 =	simm.s32 @p2 $0xFFFFFFFF  }
0x15f: {  	s6 =	smov.u32 @p0 s8  }
.LBB3_16:
0x160: {  	p0 =	sne.s32 s6, $0xFFFFFFFF  }
.Ltmp21:
0x161: {  	_ = 	snop;
	(pc) =	sbr.rel @!p0 .LBB3_17-.Ltmp21, $1  }
0x162: {  	_ =	sdelay $0x3  }
0x163: {  	v0 =	vld.msk [tilespmem:s4+$0xE0], $0x1;
	v1 =	vmov s6  }
.Ltmp22:
0x164: {  	_ = 	snop;
	(pc) =	sbr.rel .LBB3_19-.Ltmp22, $2  }
0x165: {  	_ =	sdelay $0x2  }
0x166: {  	[tilespmem:v1+s3+$0x0], v0 =	vst.idx.ret.add.f32.msk $0x1, v0  }
.LBB3_20:
0x167: {  	p0 =	slt.s32 s2, $0x1  }
.Ltmp23:
0x168: {  	_ = 	snop;
	(pc) =	sbr.rel @p0 .LBB3_24-.Ltmp23, $3  }
0x169: {  	_ =	sdelay $0x1  }
0x16a: {  	s0 =	simm.s32 $0x6  }
0x16b: {  	s3 =	simm.s32 $0x0;
	[sflag:s0] =	ssyncpa.u1 $0x1  }
0x16c: {  	s0 =	simm.s32 $0xC0  }
0x16d: {  	v0 =	vld.msk [tilespmem:s0+$0x0], $0x1;
	_ =	sdelay $0x4  }
0x16e: {  	(v2sf) =	vpush v0, $0x0;
	_ =	sdelay $0xe  }
0x16f: {  	s2 =	sadd.s32 $0xFFFFFFFF, s2;
	s4 =	spop (v2sf)  }
0x170: {  	p1 =	sne.s32 s2, $0x0;
	p0 =	sgt.u32 s4, $0x27FF  }
.Ltmp24:
0x171: {  	s5 =	sshrl.u32 @!p0 s4, $0x3;
	(pc) =	sbr.rel @!p1 .LBB3_23-.Ltmp24, $4  }
0x172: {  	s0 =	simm.s32 $0xE0;
	s4 =	sand.u32 @!p0 $0x7, s4;
	s5 =	sadd.s32 @!p0 s1, s5  }
0x173: {  	[hbm4b:s5+s4] =	stream.linear.scatter @!p0 [tilespmem:s0], [sflag:$0x5], $0x1, $0x38;
	[tilespmem:$0x11A60] =	vst v63  }
0x174: {  	s5 =	simm.s32 $0x0  }
0x175: {  	s4 =	simm.s32 $0xC1;
	s5 =	simm.s32 @!p0 $0x4  }
.LBB3_22:
0x176: {  	v0 =	vld.msk [tilespmem:s4+$0x0], $0x1;
	s2 =	sadd.s32 $0xFFFFFFFF, s2;
	s3 =	sadd.s32 s3, s5  }
0x177: {  	p0 =	sne.s32 s2, $0x0;
	_ =	sdelay $0x3  }
0x178: {  	(v2sf) =	vpush v0, $0x0;
	_ =	sdelay $0xe  }
.Ltmp25:
0x179: {  	s6 =	spop (v2sf);
	(pc) =	sbr.rel @p0 .LBB3_22-.Ltmp25, $4  }
0x17a: {  	s5 =	simm.s32 $0x0;
	p1 =	sgt.u32 s6, $0x27FF  }
0x17b: {  	s0 =	sadd.s32 $0x1, s0;
	s5 =	simm.s32 @!p1 $0x4;
	s7 =	sshrl.u32 @!p1 s6, $0x3  }
0x17c: {  	s4 =	sadd.s32 $0x1, s4;
	s6 =	sand.u32 @!p1 $0x7, s6;
	s7 =	sadd.s32 @!p1 s1, s7  }
0x17d: {  	[hbm4b:s7+s6] =	stream.linear.scatter @!p1 [tilespmem:s0], [sflag:$0x5], $0x1, $0x38;
	[tilespmem:$0x11A60] =	vst v63  }
.LBB3_23:
0x17e: {  	s0 =	sadd.s32 s3, s5  }
0x17f: {  	s3 =	sshrl.u32 s0, $0x2  }
.LBB3_24:
0x180: {  	s0 =	simm.s32 $0x5  }
0x181: {  	_ =	swait.ge [sflag:s0], s3  }
0x182: {  	s1 =	ssub.s32 $0x0, s3;
	[sflag:s0] =	ssyncset.done $0x0  }
0x183: {  	[sflag:s0] =	ssyncadd.s32 s1  }
0x184: {  	[sflag:s0] =	ssyncpa.u1 $0x1  }
0x185: {  	s29 =	simm.s32 $0x1;
	_ =	sfence  }
0x186: {  	s30 =	simm.s32 $0x2;
	[sflag:s29] =	ssyncpa.u1 $0x1  }
0x187: {  	[sflag:s30] =	ssyncpa.u1 $0x1  }
0x188: {  	_ =	strace $0x9000004A  }
0x189: {  	[bflag:$0x2] =	sbarrier.arrive $0xFFFF  }
0x18a: {  	s31 =	rddreg [dreg:$0x1]  }
0x18b: {  	s0 =	sadd.s32 $0x100000, s31  }
0x18c: {  	[sflag:s0] =	ssyncadd.tile.s32 $0x1;
	_ =	shalt  }
.Lfunc_end3:
_tile_overlayer_lowered:
.L_overlay_start_3:
0x18d: {  	(tag) =	ssettag $0x3  }
0x18e: {  	s0 =	rddreg [dreg:$0x0];
	s2 =	stileid.u32  }
0x18f: {  	s1 =	rddreg [dreg:$0x1];
	p0 =	sne.s32 s2, $0x0  }
0x190: {  	s3 =	rddreg [dreg:$0x2];
	[bflag:$0x3] =	sbarrier.arrive $0xFFFF;
	s2 =	simm.s32 @!p0 $0x1C01  }
0x191: {  	[timem:s3], [sflag:s2] =	dma.local @!p0 [hbm:s0], s1  }
0x192: {  	s0 =	simm.s32 @!p0 $0x1  }
0x193: {  	_ =	swait.ge @!p0 [sflag:s0], s1  }
0x194: {  	s1 =	ssub.s32 @!p0 $0x0, s1;
	[sflag:s0] =	ssyncset.done @!p0 $0x0  }
0x195: {  	[sflag:s0] =	ssyncadd.s32 @!p0 s1  }
0x196: {  	[bflag:$0x3] =	sbarrier.arrive $0xFFFF  }
0x197: {  	_ =	shalt  }

</sc_bundles>
